<compile_context>
chip_gen: v7x
topology: tpu7x:2x2x1
jax: 0.10.2.dev20260603
libtpu: 0.0.44.dev20260713+nightly
codegen_flags: <defaults>
</compile_context>

<pallas_src>
import jax
import jax.numpy as jnp
from jax import lax
from jax.experimental import pallas as pl
from jax.experimental.pallas import tpu as pltpu
from jax.experimental.pallas import tpu_sc as plsc

B, A = 128, 128
E = 524288
NBINS = B * A * A
NC, NS, L = 2, 16, 16
HALF = NBINS // NC
PER_TILE_BINS = HALF // NS
EDGES_PER_TILE = E // NS
CHUNK = 8192
N_CHUNKS = EDGES_PER_TILE // CHUNK
ZBUF = CHUNK


def _sc_histogram_body(flat_hbm, out_hbm, f0_v, f1_v, x0_v, x1_v, v0_v, v1_v,
                       z_v, bins_sh, sem_i0, sem_i1, sem_s0, sem_s1, sem_z):
    core = lax.axis_index("c")
    sub = lax.axis_index("s")
    sc_base = core * HALF
    tile_bin_base = sub * PER_TILE_BINS
    ebase = sub * EDGES_PER_TILE
    fbuf = (f0_v, f1_v)
    xbuf = (x0_v, x1_v)
    vbuf = (v0_v, v1_v)
    sem_in = (sem_i0, sem_i1)
    sem_sc = (sem_s0, sem_s1)

    h_in = [
        pltpu.async_copy(flat_hbm.at[pl.ds(ebase + ch * CHUNK, CHUNK)],
                         fbuf[ch], sem_in[ch]) for ch in range(2)
    ]

    def fill_src(k, _):
        z_v[pl.ds(k * L, L)] = jnp.zeros((L,), jnp.float32)
        return 0

    lax.fori_loop(0, CHUNK // L, fill_src, 0)

    h_z = [
        pltpu.async_copy(
            z_v, bins_sh.at[pl.ds(tile_bin_base + k * ZBUF, ZBUF)], sem_z)
        for k in range(PER_TILE_BINS // ZBUF)
    ]
    for h in h_z:
        h.wait()
    plsc.subcore_barrier()

    h_sc = [None, None]
    for ch in range(N_CHUNKS):
        buf = ch % 2
        h_in[buf].wait()

        if h_sc[buf] is not None:
            h_sc[buf].wait()

        def calc_vec(k, _, buf=buf):
            for u in range(4):
                o = (k * 4 + u) * L
                flat = fbuf[buf][pl.ds(o, L)] - sc_base
                ok = (flat >= 0) & (flat < HALF)
                xbuf[buf][pl.ds(o, L)] = flat & (HALF - 1)
                vbuf[buf][pl.ds(o, L)] = jnp.where(ok, 1.0, 0.0)
            return 0

        lax.fori_loop(0, CHUNK // L // 4, calc_vec, 0)
        if ch + 2 < N_CHUNKS:
            h_in[buf] = pltpu.async_copy(
                flat_hbm.at[pl.ds(ebase + (ch + 2) * CHUNK, CHUNK)],
                fbuf[buf], sem_in[buf])
        h_sc[buf] = pltpu.async_copy(vbuf[buf], bins_sh.at[xbuf[buf]],
                                     sem_sc[buf], add=True)
    h_sc[0].wait()
    h_sc[1].wait()
    pltpu.sync_copy(z_v, bins_sh.at[x1_v], add=True)
    plsc.subcore_barrier()

    out_base = sc_base + tile_bin_base
    pltpu.sync_copy(bins_sh.at[pl.ds(tile_bin_base, PER_TILE_BINS)],
                    out_hbm.at[pl.ds(out_base, PER_TILE_BINS)])


@jax.jit
def _sc_histogram(flat_idx):
    kern = pl.kernel(
        _sc_histogram_body,
        out_type=jax.ShapeDtypeStruct((NBINS,), jnp.float32),
        mesh=plsc.VectorSubcoreMesh(core_axis_name="c", subcore_axis_name="s"),
        scratch_types=[
            pltpu.VMEM((CHUNK,), jnp.int32),
            pltpu.VMEM((CHUNK,), jnp.int32),
            pltpu.VMEM((CHUNK,), jnp.int32),
            pltpu.VMEM((CHUNK,), jnp.int32),
            pltpu.VMEM((CHUNK,), jnp.float32),
            pltpu.VMEM((CHUNK,), jnp.float32),
            pltpu.VMEM((ZBUF,), jnp.float32),
            pltpu.VMEM_SHARED((HALF,), jnp.float32),
            pltpu.SemaphoreType.DMA,
            pltpu.SemaphoreType.DMA,
            pltpu.SemaphoreType.DMA,
            pltpu.SemaphoreType.DMA,
            pltpu.SemaphoreType.DMA,
        ],
    )
    return kern(flat_idx)


GB = 16


def _tc_dense_body(cnt_ref, pos_ref, post_ref, pflat_ref, r_ref, s_ref,
                   dist_ref, vec_ref):
    for g in range(GB):
        cnt = cnt_ref[g]
        p = pos_ref[g]
        pt = post_ref[g]
        pfr = pflat_ref[g]
        dx = pt[0:1, :] - p[:, 0:1]
        dy = pt[1:2, :] - p[:, 1:2]
        dz = pt[2:3, :] - p[:, 2:3]
        dist = jnp.sqrt(dx * dx + dy * dy + dz * dz)
        dist_ref[g] = cnt * dist
        cnt3 = jnp.dot(cnt.astype(jnp.bfloat16), r_ref[...],
                       preferred_element_type=jnp.float32)
        pi3 = jnp.dot(p, s_ref[0:3, :], preferred_element_type=jnp.float32,
                      precision=lax.Precision.HIGHEST)
        vec_ref[g] = cnt3 * (pfr - pi3)


@jax.jit
def _tc_dense(counts3, positions):
    post = jnp.swapaxes(positions, 1, 2)
    pflat = positions.reshape(B, 1, 3 * A)
    lane = lax.broadcasted_iota(jnp.int32, (A, 3 * A), 1)
    row = lax.broadcasted_iota(jnp.int32, (A, 3 * A), 0)
    rmat = (lane // 3 == row).astype(jnp.bfloat16)
    lane8 = lax.broadcasted_iota(jnp.int32, (8, 3 * A), 1)
    row8 = lax.broadcasted_iota(jnp.int32, (8, 3 * A), 0)
    smat = (lane8 % 3 == row8).astype(jnp.float32)
    dist, vec = pl.pallas_call(
        _tc_dense_body,
        grid=(B // GB,),
        in_specs=[
            pl.BlockSpec((GB, A, A), lambda b: (b, 0, 0)),
            pl.BlockSpec((GB, A, 3), lambda b: (b, 0, 0)),
            pl.BlockSpec((GB, 3, A), lambda b: (b, 0, 0)),
            pl.BlockSpec((GB, 1, 3 * A), lambda b: (b, 0, 0)),
            pl.BlockSpec((A, 3 * A), lambda b: (0, 0)),
            pl.BlockSpec((8, 3 * A), lambda b: (0, 0)),
        ],
        out_specs=[
            pl.BlockSpec((GB, A, A), lambda b: (b, 0, 0)),
            pl.BlockSpec((GB, A, 3 * A), lambda b: (b, 0, 0)),
        ],
        out_shape=[
            jax.ShapeDtypeStruct((B, A, A), jnp.float32),
            jax.ShapeDtypeStruct((B, A, 3 * A), jnp.float32),
        ],
    )(counts3, positions, post, pflat, rmat, smat)
    return dist, vec.reshape(B, A, A, 3)


def kernel(positions, neighbor_mask):
    flat = (neighbor_mask[0] * A + neighbor_mask[1]) * A + neighbor_mask[2]
    counts = _sc_histogram(flat)
    dist, vec = _tc_dense(counts.reshape(B, A, A), positions)
    return (dist, vec)

# --- scband reference (transcript-rebuilt; emitter-appended) ---
"""Pipeline reference for scband-shell-provider-17884243820650 (READ-ONLY COPY).

The authoritative reference and input builder live on the scoring server;
editing this copy changes nothing except your own understanding.
"""

import jax, jax.numpy as jnp
import numpy as np

B, A, E = 128, 128, 524288


def setup_inputs(seed: int = 0) -> dict:
    key = jax.random.key(seed)
    k1, k2, k3, k4 = jax.random.split(key, 4)
    positions = jax.random.normal(k1, (B, A, 3), dtype=jnp.float32) * 3.0
    b = jax.random.randint(k2, (E,), 0, B)
    i = jax.random.randint(k3, (E,), 0, A)
    off = jax.random.randint(k4, (E,), 1, A)
    j = (i + off) % A  # guarantees i != j so per-edge distance > 0
    neighbor_mask = jnp.stack([b, i, j], axis=0)
    return {"positions": positions, "neighbor_mask": neighbor_mask}


def reference(positions, neighbor_mask):
    # Faithful translation of ShellProvider.forward with periodic_boundary=False.
    # neighbor_mask is the COO index triplet (batch, center_atom, neighbor_atom)
    # of the sparse boolean mask of shape (B, A, N=A).
    b = neighbor_mask[0]
    i = neighbor_mask[1]
    j = neighbor_mask[2]
    # gather_neighbors: positions of center atoms (inputs_i) and neighbors (inputs_f)
    pos_i = positions[b, i]  # [E, 3]
    pos_f = positions[b, j]  # [E, 3]
    distance_vectors_vals = pos_f - pos_i  # sparse values of (B, A, N, 3)
    distances_vals = jnp.sqrt(jnp.sum(jnp.square(distance_vectors_vals), axis=-1))
    Bn, An, _ = positions.shape
    # Materialize the sparse outputs densely (torch sparse coalesce sums duplicates,
    # hence scatter-add).
    distances = jnp.zeros((Bn, An, An), dtype=positions.dtype).at[b, i, j].add(distances_vals)
    distance_vectors = jnp.zeros((Bn, An, An, 3), dtype=positions.dtype).at[b, i, j].add(distance_vectors_vals)
    return (distances, distance_vectors)

if __name__ == "__main__":
    import jax
    _d = setup_inputs()
    print(jax.jit(kernel)(*tuple(_d.values())))

</pallas_src>

<mosaic_0001>
#map = affine_map<(d0, d1) -> (0)>
module attributes {stable_mosaic.version = 14 : i64} {
  func.func @_sc_histogram_body(%arg0: i32, %arg1: i32, %arg2: memref<524288xi32, #tpu.memory_space<hbm>>, %arg3: memref<2097152xf32, #tpu.memory_space<hbm>>, %arg4: memref<8192xi32, #tpu.memory_space<vmem>>, %arg5: memref<8192xi32, #tpu.memory_space<vmem>>, %arg6: memref<8192xi32, #tpu.memory_space<vmem>>, %arg7: memref<8192xi32, #tpu.memory_space<vmem>>, %arg8: memref<8192xf32, #tpu.memory_space<vmem>>, %arg9: memref<8192xf32, #tpu.memory_space<vmem>>, %arg10: memref<8192xf32, #tpu.memory_space<vmem>>, %arg11: memref<1048576xf32, #tpu.memory_space<vmem_shared>>, %arg12: memref<!tpu.dma_semaphore, #tpu.memory_space<semaphore_mem>>, %arg13: memref<!tpu.dma_semaphore, #tpu.memory_space<semaphore_mem>>, %arg14: memref<!tpu.dma_semaphore, #tpu.memory_space<semaphore_mem>>, %arg15: memref<!tpu.dma_semaphore, #tpu.memory_space<semaphore_mem>>, %arg16: memref<!tpu.dma_semaphore, #tpu.memory_space<semaphore_mem>>) attributes {dimension_semantics = [#tpu.dimension_semantics<core_parallel>, #tpu.dimension_semantics<subcore_parallel>], iteration_bounds = array<i64: 2, 16>, scalar_prefetch = 0 : i64, scratch_operands = 13 : i64, tpu.core_type = #tpu.core_type<sc_vector_subcore>, window_params = [{transform_indices = #map}, {transform_indices = #map}]} {
    %mul3A = arith.constant 1048576 : i32
    %mul3A_0 = arith.muli %arg0, %mul3A : i32
    %mul3A_1 = arith.constant 65536 : i32
    %mul3A_2 = arith.muli %arg1, %mul3A_1 : i32
    %mul3A_3 = arith.constant 32768 : i32
    %mul3A_4 = arith.muli %arg1, %mul3A_3 : i32
    %add3A = arith.constant 0 : i32
    %add3A_5 = arith.addi %mul3A_4, %add3A : i32
    %dma_start3A = tpu.memref_slice %arg2[%add3A_5] : memref<524288xi32, #tpu.memory_space<hbm>> -> memref<8192xi32, #tpu.memory_space<hbm>>
    %dma_start3A_6 = tpu.memref_slice %arg2[%add3A_5] : memref<524288xi32, #tpu.memory_space<hbm>> -> memref<8192xi32, #tpu.memory_space<hbm>>
    tpu.enqueue_dma source(%dma_start3A_6 : memref<8192xi32, #tpu.memory_space<hbm>>) target(%arg4 : memref<8192xi32, #tpu.memory_space<vmem>>) target_semaphore(%arg12 : memref<!tpu.dma_semaphore, #tpu.memory_space<semaphore_mem>>)
    %add3A_7 = arith.constant 8192 : i32
    %add3A_8 = arith.addi %mul3A_4, %add3A_7 : i32
    %dma_start3A_9 = tpu.memref_slice %arg2[%add3A_8] : memref<524288xi32, #tpu.memory_space<hbm>> -> memref<8192xi32, #tpu.memory_space<hbm>>
    %dma_start3A_10 = tpu.memref_slice %arg2[%add3A_8] : memref<524288xi32, #tpu.memory_space<hbm>> -> memref<8192xi32, #tpu.memory_space<hbm>>
    tpu.enqueue_dma source(%dma_start3A_10 : memref<8192xi32, #tpu.memory_space<hbm>>) target(%arg5 : memref<8192xi32, #tpu.memory_space<vmem>>) target_semaphore(%arg13 : memref<!tpu.dma_semaphore, #tpu.memory_space<semaphore_mem>>)
    %scan3A = arith.constant 0 : i32
    %scan3A_11 = arith.constant 0 : i32
    %scan3A_12 = arith.constant 512 : i32
    %scan3A_13 = arith.addi %scan3A_11, %scan3A_12 : i32
    %scan3A_14 = arith.constant 1 : i32
    %scan3A_15 = scf.for %scan3A_126 = %scan3A_11 to %scan3A_13 step %scan3A_14 iter_args(%scan3A_127 = %scan3A) -> (i32)  : i32 {
      %broadcast_in_dim3A = arith.constant 0.000000e+00 : f32
      %broadcast_in_dim3A_128 = vector.broadcast %broadcast_in_dim3A : f32 to vector<16xf32>
      %mul3A_129 = arith.constant 16 : i32
      %mul3A_130 = arith.muli %scan3A_126, %mul3A_129 : i32
      %swap3A = arith.index_cast %mul3A_130 : i32 to index
      %swap3A_131 = tpu.vector_load %arg10[%swap3A] {strides = array<i32>} : memref<8192xf32, #tpu.memory_space<vmem>>, vector<16xf32>,
      %swap3A_132 = vector.shape_cast %swap3A_131 : vector<16xf32> to vector<16xf32>
      %swap3A_133 = vector.shape_cast %broadcast_in_dim3A_128 : vector<16xf32> to vector<16xf32>
      tpu.vector_store %arg10[%swap3A], %swap3A_133 {strides = array<i32>} : memref<8192xf32, #tpu.memory_space<vmem>>, vector<16xf32>,
      %scan3A_134 = arith.constant 0 : i32
      scf.yield %scan3A_134 : i32
    }
    %scan3A_16 = arith.constant 512 : i32
    %add3A_17 = arith.constant 0 : i32
    %add3A_18 = arith.addi %mul3A_2, %add3A_17 : i32
    %dma_start3A_19 = tpu.memref_slice %arg11[%add3A_18] : memref<1048576xf32, #tpu.memory_space<vmem_shared>> -> memref<8192xf32, #tpu.memory_space<vmem_shared>>
    %dma_start3A_20 = tpu.memref_slice %arg11[%add3A_18] : memref<1048576xf32, #tpu.memory_space<vmem_shared>> -> memref<8192xf32, #tpu.memory_space<vmem_shared>>
    tpu.enqueue_dma source(%arg10 : memref<8192xf32, #tpu.memory_space<vmem>>) target(%dma_start3A_20 : memref<8192xf32, #tpu.memory_space<vmem_shared>>) target_semaphore(%arg16 : memref<!tpu.dma_semaphore, #tpu.memory_space<semaphore_mem>>)
    %add3A_21 = arith.constant 8192 : i32
    %add3A_22 = arith.addi %mul3A_2, %add3A_21 : i32
    %dma_start3A_23 = tpu.memref_slice %arg11[%add3A_22] : memref<1048576xf32, #tpu.memory_space<vmem_shared>> -> memref<8192xf32, #tpu.memory_space<vmem_shared>>
    %dma_start3A_24 = tpu.memref_slice %arg11[%add3A_22] : memref<1048576xf32, #tpu.memory_space<vmem_shared>> -> memref<8192xf32, #tpu.memory_space<vmem_shared>>
    tpu.enqueue_dma source(%arg10 : memref<8192xf32, #tpu.memory_space<vmem>>) target(%dma_start3A_24 : memref<8192xf32, #tpu.memory_space<vmem_shared>>) target_semaphore(%arg16 : memref<!tpu.dma_semaphore, #tpu.memory_space<semaphore_mem>>)
    %add3A_25 = arith.constant 16384 : i32
    %add3A_26 = arith.addi %mul3A_2, %add3A_25 : i32
    %dma_start3A_27 = tpu.memref_slice %arg11[%add3A_26] : memref<1048576xf32, #tpu.memory_space<vmem_shared>> -> memref<8192xf32, #tpu.memory_space<vmem_shared>>
    %dma_start3A_28 = tpu.memref_slice %arg11[%add3A_26] : memref<1048576xf32, #tpu.memory_space<vmem_shared>> -> memref<8192xf32, #tpu.memory_space<vmem_shared>>
    tpu.enqueue_dma source(%arg10 : memref<8192xf32, #tpu.memory_space<vmem>>) target(%dma_start3A_28 : memref<8192xf32, #tpu.memory_space<vmem_shared>>) target_semaphore(%arg16 : memref<!tpu.dma_semaphore, #tpu.memory_space<semaphore_mem>>)
    %add3A_29 = arith.constant 24576 : i32
    %add3A_30 = arith.addi %mul3A_2, %add3A_29 : i32
    %dma_start3A_31 = tpu.memref_slice %arg11[%add3A_30] : memref<1048576xf32, #tpu.memory_space<vmem_shared>> -> memref<8192xf32, #tpu.memory_space<vmem_shared>>
    %dma_start3A_32 = tpu.memref_slice %arg11[%add3A_30] : memref<1048576xf32, #tpu.memory_space<vmem_shared>> -> memref<8192xf32, #tpu.memory_space<vmem_shared>>
    tpu.enqueue_dma source(%arg10 : memref<8192xf32, #tpu.memory_space<vmem>>) target(%dma_start3A_32 : memref<8192xf32, #tpu.memory_space<vmem_shared>>) target_semaphore(%arg16 : memref<!tpu.dma_semaphore, #tpu.memory_space<semaphore_mem>>)
    %add3A_33 = arith.constant 32768 : i32
    %add3A_34 = arith.addi %mul3A_2, %add3A_33 : i32
    %dma_start3A_35 = tpu.memref_slice %arg11[%add3A_34] : memref<1048576xf32, #tpu.memory_space<vmem_shared>> -> memref<8192xf32, #tpu.memory_space<vmem_shared>>
    %dma_start3A_36 = tpu.memref_slice %arg11[%add3A_34] : memref<1048576xf32, #tpu.memory_space<vmem_shared>> -> memref<8192xf32, #tpu.memory_space<vmem_shared>>
    tpu.enqueue_dma source(%arg10 : memref<8192xf32, #tpu.memory_space<vmem>>) target(%dma_start3A_36 : memref<8192xf32, #tpu.memory_space<vmem_shared>>) target_semaphore(%arg16 : memref<!tpu.dma_semaphore, #tpu.memory_space<semaphore_mem>>)
    %add3A_37 = arith.constant 40960 : i32
    %add3A_38 = arith.addi %mul3A_2, %add3A_37 : i32
    %dma_start3A_39 = tpu.memref_slice %arg11[%add3A_38] : memref<1048576xf32, #tpu.memory_space<vmem_shared>> -> memref<8192xf32, #tpu.memory_space<vmem_shared>>
    %dma_start3A_40 = tpu.memref_slice %arg11[%add3A_38] : memref<1048576xf32, #tpu.memory_space<vmem_shared>> -> memref<8192xf32, #tpu.memory_space<vmem_shared>>
    tpu.enqueue_dma source(%arg10 : memref<8192xf32, #tpu.memory_space<vmem>>) target(%dma_start3A_40 : memref<8192xf32, #tpu.memory_space<vmem_shared>>) target_semaphore(%arg16 : memref<!tpu.dma_semaphore, #tpu.memory_space<semaphore_mem>>)
    %add3A_41 = arith.constant 49152 : i32
    %add3A_42 = arith.addi %mul3A_2, %add3A_41 : i32
    %dma_start3A_43 = tpu.memref_slice %arg11[%add3A_42] : memref<1048576xf32, #tpu.memory_space<vmem_shared>> -> memref<8192xf32, #tpu.memory_space<vmem_shared>>
    %dma_start3A_44 = tpu.memref_slice %arg11[%add3A_42] : memref<1048576xf32, #tpu.memory_space<vmem_shared>> -> memref<8192xf32, #tpu.memory_space<vmem_shared>>
    tpu.enqueue_dma source(%arg10 : memref<8192xf32, #tpu.memory_space<vmem>>) target(%dma_start3A_44 : memref<8192xf32, #tpu.memory_space<vmem_shared>>) target_semaphore(%arg16 : memref<!tpu.dma_semaphore, #tpu.memory_space<semaphore_mem>>)
    %add3A_45 = arith.constant 57344 : i32
    %add3A_46 = arith.addi %mul3A_2, %add3A_45 : i32
    %dma_start3A_47 = tpu.memref_slice %arg11[%add3A_46] : memref<1048576xf32, #tpu.memory_space<vmem_shared>> -> memref<8192xf32, #tpu.memory_space<vmem_shared>>
    %dma_start3A_48 = tpu.memref_slice %arg11[%add3A_46] : memref<1048576xf32, #tpu.memory_space<vmem_shared>> -> memref<8192xf32, #tpu.memory_space<vmem_shared>>
    tpu.enqueue_dma source(%arg10 : memref<8192xf32, #tpu.memory_space<vmem>>) target(%dma_start3A_48 : memref<8192xf32, #tpu.memory_space<vmem_shared>>) target_semaphore(%arg16 : memref<!tpu.dma_semaphore, #tpu.memory_space<semaphore_mem>>)
    %dma_wait3A = tpu.memref_slice %arg11[%add3A_18] : memref<1048576xf32, #tpu.memory_space<vmem_shared>> -> memref<8192xf32, #tpu.memory_space<vmem_shared>>
    %dma_wait3A_49 = tpu.memref_slice %arg11[%add3A_18] : memref<1048576xf32, #tpu.memory_space<vmem_shared>> -> memref<8192xf32, #tpu.memory_space<vmem_shared>>
    tpu.wait_dma2 semaphore(%arg16 : memref<!tpu.dma_semaphore, #tpu.memory_space<semaphore_mem>>) src(%arg10 : memref<8192xf32, #tpu.memory_space<vmem>>) dst(%dma_wait3A_49 : memref<8192xf32, #tpu.memory_space<vmem_shared>>)
    %dma_wait3A_50 = tpu.memref_slice %arg11[%add3A_22] : memref<1048576xf32, #tpu.memory_space<vmem_shared>> -> memref<8192xf32, #tpu.memory_space<vmem_shared>>
    %dma_wait3A_51 = tpu.memref_slice %arg11[%add3A_22] : memref<1048576xf32, #tpu.memory_space<vmem_shared>> -> memref<8192xf32, #tpu.memory_space<vmem_shared>>
    tpu.wait_dma2 semaphore(%arg16 : memref<!tpu.dma_semaphore, #tpu.memory_space<semaphore_mem>>) src(%arg10 : memref<8192xf32, #tpu.memory_space<vmem>>) dst(%dma_wait3A_51 : memref<8192xf32, #tpu.memory_space<vmem_shared>>)
    %dma_wait3A_52 = tpu.memref_slice %arg11[%add3A_26] : memref<1048576xf32, #tpu.memory_space<vmem_shared>> -> memref<8192xf32, #tpu.memory_space<vmem_shared>>
    %dma_wait3A_53 = tpu.memref_slice %arg11[%add3A_26] : memref<1048576xf32, #tpu.memory_space<vmem_shared>> -> memref<8192xf32, #tpu.memory_space<vmem_shared>>
    tpu.wait_dma2 semaphore(%arg16 : memref<!tpu.dma_semaphore, #tpu.memory_space<semaphore_mem>>) src(%arg10 : memref<8192xf32, #tpu.memory_space<vmem>>) dst(%dma_wait3A_53 : memref<8192xf32, #tpu.memory_space<vmem_shared>>)
    %dma_wait3A_54 = tpu.memref_slice %arg11[%add3A_30] : memref<1048576xf32, #tpu.memory_space<vmem_shared>> -> memref<8192xf32, #tpu.memory_space<vmem_shared>>
    %dma_wait3A_55 = tpu.memref_slice %arg11[%add3A_30] : memref<1048576xf32, #tpu.memory_space<vmem_shared>> -> memref<8192xf32, #tpu.memory_space<vmem_shared>>
    tpu.wait_dma2 semaphore(%arg16 : memref<!tpu.dma_semaphore, #tpu.memory_space<semaphore_mem>>) src(%arg10 : memref<8192xf32, #tpu.memory_space<vmem>>) dst(%dma_wait3A_55 : memref<8192xf32, #tpu.memory_space<vmem_shared>>)
    %dma_wait3A_56 = tpu.memref_slice %arg11[%add3A_34] : memref<1048576xf32, #tpu.memory_space<vmem_shared>> -> memref<8192xf32, #tpu.memory_space<vmem_shared>>
    %dma_wait3A_57 = tpu.memref_slice %arg11[%add3A_34] : memref<1048576xf32, #tpu.memory_space<vmem_shared>> -> memref<8192xf32, #tpu.memory_space<vmem_shared>>
    tpu.wait_dma2 semaphore(%arg16 : memref<!tpu.dma_semaphore, #tpu.memory_space<semaphore_mem>>) src(%arg10 : memref<8192xf32, #tpu.memory_space<vmem>>) dst(%dma_wait3A_57 : memref<8192xf32, #tpu.memory_space<vmem_shared>>)
    %dma_wait3A_58 = tpu.memref_slice %arg11[%add3A_38] : memref<1048576xf32, #tpu.memory_space<vmem_shared>> -> memref<8192xf32, #tpu.memory_space<vmem_shared>>
    %dma_wait3A_59 = tpu.memref_slice %arg11[%add3A_38] : memref<1048576xf32, #tpu.memory_space<vmem_shared>> -> memref<8192xf32, #tpu.memory_space<vmem_shared>>
    tpu.wait_dma2 semaphore(%arg16 : memref<!tpu.dma_semaphore, #tpu.memory_space<semaphore_mem>>) src(%arg10 : memref<8192xf32, #tpu.memory_space<vmem>>) dst(%dma_wait3A_59 : memref<8192xf32, #tpu.memory_space<vmem_shared>>)
    %dma_wait3A_60 = tpu.memref_slice %arg11[%add3A_42] : memref<1048576xf32, #tpu.memory_space<vmem_shared>> -> memref<8192xf32, #tpu.memory_space<vmem_shared>>
    %dma_wait3A_61 = tpu.memref_slice %arg11[%add3A_42] : memref<1048576xf32, #tpu.memory_space<vmem_shared>> -> memref<8192xf32, #tpu.memory_space<vmem_shared>>
    tpu.wait_dma2 semaphore(%arg16 : memref<!tpu.dma_semaphore, #tpu.memory_space<semaphore_mem>>) src(%arg10 : memref<8192xf32, #tpu.memory_space<vmem>>) dst(%dma_wait3A_61 : memref<8192xf32, #tpu.memory_space<vmem_shared>>)
    %dma_wait3A_62 = tpu.memref_slice %arg11[%add3A_46] : memref<1048576xf32, #tpu.memory_space<vmem_shared>> -> memref<8192xf32, #tpu.memory_space<vmem_shared>>
    %dma_wait3A_63 = tpu.memref_slice %arg11[%add3A_46] : memref<1048576xf32, #tpu.memory_space<vmem_shared>> -> memref<8192xf32, #tpu.memory_space<vmem_shared>>
    tpu.wait_dma2 semaphore(%arg16 : memref<!tpu.dma_semaphore, #tpu.memory_space<semaphore_mem>>) src(%arg10 : memref<8192xf32, #tpu.memory_space<vmem>>) dst(%dma_wait3A_63 : memref<8192xf32, #tpu.memory_space<vmem_shared>>)
    %barrier3A = arith.constant 0 : index
    tpu.barrier barrier_id(%barrier3A)
    %dma_wait3A_64 = tpu.memref_slice %arg2[%add3A_5] : memref<524288xi32, #tpu.memory_space<hbm>> -> memref<8192xi32, #tpu.memory_space<hbm>>
    %dma_wait3A_65 = tpu.memref_slice %arg2[%add3A_5] : memref<524288xi32, #tpu.memory_space<hbm>> -> memref<8192xi32, #tpu.memory_space<hbm>>
    tpu.wait_dma2 semaphore(%arg12 : memref<!tpu.dma_semaphore, #tpu.memory_space<semaphore_mem>>) src(%dma_wait3A_65 : memref<8192xi32, #tpu.memory_space<hbm>>) dst(%arg4 : memref<8192xi32, #tpu.memory_space<vmem>>)
    %scan3A_66 = arith.constant 0 : i32
    %scan3A_67 = arith.constant 0 : i32
    %scan3A_68 = arith.constant 128 : i32
    %scan3A_69 = arith.addi %scan3A_67, %scan3A_68 : i32
    %scan3A_70 = arith.constant 1 : i32
    %scan3A_71 = scf.for %scan3A_126 = %scan3A_67 to %scan3A_69 step %scan3A_70 iter_args(%scan3A_127 = %scan3A_66) -> (i32)  : i32 {
      %mul3A_128 = arith.constant 4 : i32
      %mul3A_129 = arith.muli %scan3A_126, %mul3A_128 : i32
      %add3A_130 = arith.constant 0 : i32
      %add3A_131 = arith.addi %mul3A_129, %add3A_130 : i32
      %mul3A_132 = arith.constant 16 : i32
      %mul3A_133 = arith.muli %add3A_131, %mul3A_132 : i32
      %get3A = arith.index_cast %mul3A_133 : i32 to index
      %get3A_134 = tpu.vector_load %arg4[%get3A] {strides = array<i32>} : memref<8192xi32, #tpu.memory_space<vmem>>, vector<16xi32>,
      %get3A_135 = vector.shape_cast %get3A_134 : vector<16xi32> to vector<16xi32>
      %sub3A = vector.broadcast %mul3A_0 : i32 to vector<16xi32>
      %sub3A_136 = arith.subi %get3A_135, %sub3A : vector<16xi32>
      %ge3A = arith.constant 0 : i32
      %ge3A_137 = vector.broadcast %ge3A : i32 to vector<16xi32>
      %ge3A_138 = arith.cmpi sge, %sub3A_136, %ge3A_137 : vector<16xi32>
      %lt3A = arith.constant 1048576 : i32
      %lt3A_139 = vector.broadcast %lt3A : i32 to vector<16xi32>
      %lt3A_140 = arith.cmpi slt, %sub3A_136, %lt3A_139 : vector<16xi32>
      %and3A = arith.andi %ge3A_138, %lt3A_140 : vector<16xi1>
      %and3A_141 = arith.constant 1048575 : i32
      %and3A_142 = vector.broadcast %and3A_141 : i32 to vector<16xi32>
      %and3A_143 = arith.andi %sub3A_136, %and3A_142 : vector<16xi32>
      %swap3A = arith.index_cast %mul3A_133 : i32 to index
      %swap3A_144 = tpu.vector_load %arg6[%swap3A] {strides = array<i32>} : memref<8192xi32, #tpu.memory_space<vmem>>, vector<16xi32>,
      %swap3A_145 = vector.shape_cast %swap3A_144 : vector<16xi32> to vector<16xi32>
      %swap3A_146 = vector.shape_cast %and3A_143 : vector<16xi32> to vector<16xi32>
      tpu.vector_store %arg6[%swap3A], %swap3A_146 {strides = array<i32>} : memref<8192xi32, #tpu.memory_space<vmem>>, vector<16xi32>,
      %jit3A = arith.constant 1.000000e+00 : f32
      %jit3A_147 = arith.constant 0.000000e+00 : f32
      %broadcast_in_dim3A = vector.broadcast %jit3A : f32 to vector<16xf32>
      %broadcast_in_dim3A_148 = vector.broadcast %jit3A_147 : f32 to vector<16xf32>
      %select_n3A = arith.select %and3A, %broadcast_in_dim3A, %broadcast_in_dim3A_148 : vector<16xi1>, vector<16xf32>
      %swap3A_149 = arith.index_cast %mul3A_133 : i32 to index
      %swap3A_150 = tpu.vector_load %arg8[%swap3A_149] {strides = array<i32>} : memref<8192xf32, #tpu.memory_space<vmem>>, vector<16xf32>,
      %swap3A_151 = vector.shape_cast %swap3A_150 : vector<16xf32> to vector<16xf32>
      %swap3A_152 = vector.shape_cast %select_n3A : vector<16xf32> to vector<16xf32>
      tpu.vector_store %arg8[%swap3A_149], %swap3A_152 {strides = array<i32>} : memref<8192xf32, #tpu.memory_space<vmem>>, vector<16xf32>,
      %mul3A_153 = arith.constant 4 : i32
      %mul3A_154 = arith.muli %scan3A_126, %mul3A_153 : i32
      %add3A_155 = arith.constant 1 : i32
      %add3A_156 = arith.addi %mul3A_154, %add3A_155 : i32
      %mul3A_157 = arith.constant 16 : i32
      %mul3A_158 = arith.muli %add3A_156, %mul3A_157 : i32
      %get3A_159 = arith.index_cast %mul3A_158 : i32 to index
      %get3A_160 = tpu.vector_load %arg4[%get3A_159] {strides = array<i32>} : memref<8192xi32, #tpu.memory_space<vmem>>, vector<16xi32>,
      %get3A_161 = vector.shape_cast %get3A_160 : vector<16xi32> to vector<16xi32>
      %sub3A_162 = vector.broadcast %mul3A_0 : i32 to vector<16xi32>
      %sub3A_163 = arith.subi %get3A_161, %sub3A_162 : vector<16xi32>
      %ge3A_164 = arith.constant 0 : i32
      %ge3A_165 = vector.broadcast %ge3A_164 : i32 to vector<16xi32>
      %ge3A_166 = arith.cmpi sge, %sub3A_163, %ge3A_165 : vector<16xi32>
      %lt3A_167 = arith.constant 1048576 : i32
      %lt3A_168 = vector.broadcast %lt3A_167 : i32 to vector<16xi32>
      %lt3A_169 = arith.cmpi slt, %sub3A_163, %lt3A_168 : vector<16xi32>
      %and3A_170 = arith.andi %ge3A_166, %lt3A_169 : vector<16xi1>
      %and3A_171 = arith.constant 1048575 : i32
      %and3A_172 = vector.broadcast %and3A_171 : i32 to vector<16xi32>
      %and3A_173 = arith.andi %sub3A_163, %and3A_172 : vector<16xi32>
      %swap3A_174 = arith.index_cast %mul3A_158 : i32 to index
      %swap3A_175 = tpu.vector_load %arg6[%swap3A_174] {strides = array<i32>} : memref<8192xi32, #tpu.memory_space<vmem>>, vector<16xi32>,
      %swap3A_176 = vector.shape_cast %swap3A_175 : vector<16xi32> to vector<16xi32>
      %swap3A_177 = vector.shape_cast %and3A_173 : vector<16xi32> to vector<16xi32>
      tpu.vector_store %arg6[%swap3A_174], %swap3A_177 {strides = array<i32>} : memref<8192xi32, #tpu.memory_space<vmem>>, vector<16xi32>,
      %jit3A_178 = arith.constant 1.000000e+00 : f32
      %jit3A_179 = arith.constant 0.000000e+00 : f32
      %broadcast_in_dim3A_180 = vector.broadcast %jit3A_178 : f32 to vector<16xf32>
      %broadcast_in_dim3A_181 = vector.broadcast %jit3A_179 : f32 to vector<16xf32>
      %select_n3A_182 = arith.select %and3A_170, %broadcast_in_dim3A_180, %broadcast_in_dim3A_181 : vector<16xi1>, vector<16xf32>
      %swap3A_183 = arith.index_cast %mul3A_158 : i32 to index
      %swap3A_184 = tpu.vector_load %arg8[%swap3A_183] {strides = array<i32>} : memref<8192xf32, #tpu.memory_space<vmem>>, vector<16xf32>,
      %swap3A_185 = vector.shape_cast %swap3A_184 : vector<16xf32> to vector<16xf32>
      %swap3A_186 = vector.shape_cast %select_n3A_182 : vector<16xf32> to vector<16xf32>
      tpu.vector_store %arg8[%swap3A_183], %swap3A_186 {strides = array<i32>} : memref<8192xf32, #tpu.memory_space<vmem>>, vector<16xf32>,
      %mul3A_187 = arith.constant 4 : i32
      %mul3A_188 = arith.muli %scan3A_126, %mul3A_187 : i32
      %add3A_189 = arith.constant 2 : i32
      %add3A_190 = arith.addi %mul3A_188, %add3A_189 : i32
      %mul3A_191 = arith.constant 16 : i32
      %mul3A_192 = arith.muli %add3A_190, %mul3A_191 : i32
      %get3A_193 = arith.index_cast %mul3A_192 : i32 to index
      %get3A_194 = tpu.vector_load %arg4[%get3A_193] {strides = array<i32>} : memref<8192xi32, #tpu.memory_space<vmem>>, vector<16xi32>,
      %get3A_195 = vector.shape_cast %get3A_194 : vector<16xi32> to vector<16xi32>
      %sub3A_196 = vector.broadcast %mul3A_0 : i32 to vector<16xi32>
      %sub3A_197 = arith.subi %get3A_195, %sub3A_196 : vector<16xi32>
      %ge3A_198 = arith.constant 0 : i32
      %ge3A_199 = vector.broadcast %ge3A_198 : i32 to vector<16xi32>
      %ge3A_200 = arith.cmpi sge, %sub3A_197, %ge3A_199 : vector<16xi32>
      %lt3A_201 = arith.constant 1048576 : i32
      %lt3A_202 = vector.broadcast %lt3A_201 : i32 to vector<16xi32>
      %lt3A_203 = arith.cmpi slt, %sub3A_197, %lt3A_202 : vector<16xi32>
      %and3A_204 = arith.andi %ge3A_200, %lt3A_203 : vector<16xi1>
      %and3A_205 = arith.constant 1048575 : i32
      %and3A_206 = vector.broadcast %and3A_205 : i32 to vector<16xi32>
      %and3A_207 = arith.andi %sub3A_197, %and3A_206 : vector<16xi32>
      %swap3A_208 = arith.index_cast %mul3A_192 : i32 to index
      %swap3A_209 = tpu.vector_load %arg6[%swap3A_208] {strides = array<i32>} : memref<8192xi32, #tpu.memory_space<vmem>>, vector<16xi32>,
      %swap3A_210 = vector.shape_cast %swap3A_209 : vector<16xi32> to vector<16xi32>
      %swap3A_211 = vector.shape_cast %and3A_207 : vector<16xi32> to vector<16xi32>
      tpu.vector_store %arg6[%swap3A_208], %swap3A_211 {strides = array<i32>} : memref<8192xi32, #tpu.memory_space<vmem>>, vector<16xi32>,
      %jit3A_212 = arith.constant 1.000000e+00 : f32
      %jit3A_213 = arith.constant 0.000000e+00 : f32
      %broadcast_in_dim3A_214 = vector.broadcast %jit3A_212 : f32 to vector<16xf32>
      %broadcast_in_dim3A_215 = vector.broadcast %jit3A_213 : f32 to vector<16xf32>
      %select_n3A_216 = arith.select %and3A_204, %broadcast_in_dim3A_214, %broadcast_in_dim3A_215 : vector<16xi1>, vector<16xf32>
      %swap3A_217 = arith.index_cast %mul3A_192 : i32 to index
      %swap3A_218 = tpu.vector_load %arg8[%swap3A_217] {strides = array<i32>} : memref<8192xf32, #tpu.memory_space<vmem>>, vector<16xf32>,
      %swap3A_219 = vector.shape_cast %swap3A_218 : vector<16xf32> to vector<16xf32>
      %swap3A_220 = vector.shape_cast %select_n3A_216 : vector<16xf32> to vector<16xf32>
      tpu.vector_store %arg8[%swap3A_217], %swap3A_220 {strides = array<i32>} : memref<8192xf32, #tpu.memory_space<vmem>>, vector<16xf32>,
      %mul3A_221 = arith.constant 4 : i32
      %mul3A_222 = arith.muli %scan3A_126, %mul3A_221 : i32
      %add3A_223 = arith.constant 3 : i32
      %add3A_224 = arith.addi %mul3A_222, %add3A_223 : i32
      %mul3A_225 = arith.constant 16 : i32
      %mul3A_226 = arith.muli %add3A_224, %mul3A_225 : i32
      %get3A_227 = arith.index_cast %mul3A_226 : i32 to index
      %get3A_228 = tpu.vector_load %arg4[%get3A_227] {strides = array<i32>} : memref<8192xi32, #tpu.memory_space<vmem>>, vector<16xi32>,
      %get3A_229 = vector.shape_cast %get3A_228 : vector<16xi32> to vector<16xi32>
      %sub3A_230 = vector.broadcast %mul3A_0 : i32 to vector<16xi32>
      %sub3A_231 = arith.subi %get3A_229, %sub3A_230 : vector<16xi32>
      %ge3A_232 = arith.constant 0 : i32
      %ge3A_233 = vector.broadcast %ge3A_232 : i32 to vector<16xi32>
      %ge3A_234 = arith.cmpi sge, %sub3A_231, %ge3A_233 : vector<16xi32>
      %lt3A_235 = arith.constant 1048576 : i32
      %lt3A_236 = vector.broadcast %lt3A_235 : i32 to vector<16xi32>
      %lt3A_237 = arith.cmpi slt, %sub3A_231, %lt3A_236 : vector<16xi32>
      %and3A_238 = arith.andi %ge3A_234, %lt3A_237 : vector<16xi1>
      %and3A_239 = arith.constant 1048575 : i32
      %and3A_240 = vector.broadcast %and3A_239 : i32 to vector<16xi32>
      %and3A_241 = arith.andi %sub3A_231, %and3A_240 : vector<16xi32>
      %swap3A_242 = arith.index_cast %mul3A_226 : i32 to index
      %swap3A_243 = tpu.vector_load %arg6[%swap3A_242] {strides = array<i32>} : memref<8192xi32, #tpu.memory_space<vmem>>, vector<16xi32>,
      %swap3A_244 = vector.shape_cast %swap3A_243 : vector<16xi32> to vector<16xi32>
      %swap3A_245 = vector.shape_cast %and3A_241 : vector<16xi32> to vector<16xi32>
      tpu.vector_store %arg6[%swap3A_242], %swap3A_245 {strides = array<i32>} : memref<8192xi32, #tpu.memory_space<vmem>>, vector<16xi32>,
      %jit3A_246 = arith.constant 1.000000e+00 : f32
      %jit3A_247 = arith.constant 0.000000e+00 : f32
      %broadcast_in_dim3A_248 = vector.broadcast %jit3A_246 : f32 to vector<16xf32>
      %broadcast_in_dim3A_249 = vector.broadcast %jit3A_247 : f32 to vector<16xf32>
      %select_n3A_250 = arith.select %and3A_238, %broadcast_in_dim3A_248, %broadcast_in_dim3A_249 : vector<16xi1>, vector<16xf32>
      %swap3A_251 = arith.index_cast %mul3A_226 : i32 to index
      %swap3A_252 = tpu.vector_load %arg8[%swap3A_251] {strides = array<i32>} : memref<8192xf32, #tpu.memory_space<vmem>>, vector<16xf32>,
      %swap3A_253 = vector.shape_cast %swap3A_252 : vector<16xf32> to vector<16xf32>
      %swap3A_254 = vector.shape_cast %select_n3A_250 : vector<16xf32> to vector<16xf32>
      tpu.vector_store %arg8[%swap3A_251], %swap3A_254 {strides = array<i32>} : memref<8192xf32, #tpu.memory_space<vmem>>, vector<16xf32>,
      %scan3A_255 = arith.constant 0 : i32
      scf.yield %scan3A_255 : i32
    }
    %scan3A_72 = arith.constant 128 : i32
    %add3A_73 = arith.constant 16384 : i32
    %add3A_74 = arith.addi %mul3A_4, %add3A_73 : i32
    %dma_start3A_75 = tpu.memref_slice %arg2[%add3A_74] : memref<524288xi32, #tpu.memory_space<hbm>> -> memref<8192xi32, #tpu.memory_space<hbm>>
    %dma_start3A_76 = tpu.memref_slice %arg2[%add3A_74] : memref<524288xi32, #tpu.memory_space<hbm>> -> memref<8192xi32, #tpu.memory_space<hbm>>
    tpu.enqueue_dma source(%dma_start3A_76 : memref<8192xi32, #tpu.memory_space<hbm>>) target(%arg4 : memref<8192xi32, #tpu.memory_space<vmem>>) target_semaphore(%arg12 : memref<!tpu.dma_semaphore, #tpu.memory_space<semaphore_mem>>)
    %dma_start3A_77 = arith.constant 0 : i32
    %dma_start3A_78 = tpu.memref_slice %arg11[%dma_start3A_77] : memref<1048576xf32, #tpu.memory_space<vmem_shared>> -> memref<1048576xf32, #tpu.memory_space<vmem_shared>>
    tpu.enqueue_indirect_dma source(%arg8 : memref<8192xf32, #tpu.memory_space<vmem>>) target(%dma_start3A_78 : memref<1048576xf32, #tpu.memory_space<vmem_shared>>) offsets(%arg6 : memref<8192xi32, #tpu.memory_space<vmem>>) semaphore(%arg14 : memref<!tpu.dma_semaphore, #tpu.memory_space<semaphore_mem>>) {add = true}
    %dma_wait3A_79 = tpu.memref_slice %arg2[%add3A_8] : memref<524288xi32, #tpu.memory_space<hbm>> -> memref<8192xi32, #tpu.memory_space<hbm>>
    %dma_wait3A_80 = tpu.memref_slice %arg2[%add3A_8] : memref<524288xi32, #tpu.memory_space<hbm>> -> memref<8192xi32, #tpu.memory_space<hbm>>
    tpu.wait_dma2 semaphore(%arg13 : memref<!tpu.dma_semaphore, #tpu.memory_space<semaphore_mem>>) src(%dma_wait3A_80 : memref<8192xi32, #tpu.memory_space<hbm>>) dst(%arg5 : memref<8192xi32, #tpu.memory_space<vmem>>)
    %scan3A_81 = arith.constant 0 : i32
    %scan3A_82 = arith.constant 0 : i32
    %scan3A_83 = arith.constant 128 : i32
    %scan3A_84 = arith.addi %scan3A_82, %scan3A_83 : i32
    %scan3A_85 = arith.constant 1 : i32
    %scan3A_86 = scf.for %scan3A_126 = %scan3A_82 to %scan3A_84 step %scan3A_85 iter_args(%scan3A_127 = %scan3A_81) -> (i32)  : i32 {
      %mul3A_128 = arith.constant 4 : i32
      %mul3A_129 = arith.muli %scan3A_126, %mul3A_128 : i32
      %add3A_130 = arith.constant 0 : i32
      %add3A_131 = arith.addi %mul3A_129, %add3A_130 : i32
      %mul3A_132 = arith.constant 16 : i32
      %mul3A_133 = arith.muli %add3A_131, %mul3A_132 : i32
      %get3A = arith.index_cast %mul3A_133 : i32 to index
      %get3A_134 = tpu.vector_load %arg5[%get3A] {strides = array<i32>} : memref<8192xi32, #tpu.memory_space<vmem>>, vector<16xi32>,
      %get3A_135 = vector.shape_cast %get3A_134 : vector<16xi32> to vector<16xi32>
      %sub3A = vector.broadcast %mul3A_0 : i32 to vector<16xi32>
      %sub3A_136 = arith.subi %get3A_135, %sub3A : vector<16xi32>
      %ge3A = arith.constant 0 : i32
      %ge3A_137 = vector.broadcast %ge3A : i32 to vector<16xi32>
      %ge3A_138 = arith.cmpi sge, %sub3A_136, %ge3A_137 : vector<16xi32>
      %lt3A = arith.constant 1048576 : i32
      %lt3A_139 = vector.broadcast %lt3A : i32 to vector<16xi32>
      %lt3A_140 = arith.cmpi slt, %sub3A_136, %lt3A_139 : vector<16xi32>
      %and3A = arith.andi %ge3A_138, %lt3A_140 : vector<16xi1>
      %and3A_141 = arith.constant 1048575 : i32
      %and3A_142 = vector.broadcast %and3A_141 : i32 to vector<16xi32>
      %and3A_143 = arith.andi %sub3A_136, %and3A_142 : vector<16xi32>
      %swap3A = arith.index_cast %mul3A_133 : i32 to index
      %swap3A_144 = tpu.vector_load %arg7[%swap3A] {strides = array<i32>} : memref<8192xi32, #tpu.memory_space<vmem>>, vector<16xi32>,
      %swap3A_145 = vector.shape_cast %swap3A_144 : vector<16xi32> to vector<16xi32>
      %swap3A_146 = vector.shape_cast %and3A_143 : vector<16xi32> to vector<16xi32>
      tpu.vector_store %arg7[%swap3A], %swap3A_146 {strides = array<i32>} : memref<8192xi32, #tpu.memory_space<vmem>>, vector<16xi32>,
      %jit3A = arith.constant 1.000000e+00 : f32
      %jit3A_147 = arith.constant 0.000000e+00 : f32
      %broadcast_in_dim3A = vector.broadcast %jit3A : f32 to vector<16xf32>
      %broadcast_in_dim3A_148 = vector.broadcast %jit3A_147 : f32 to vector<16xf32>
      %select_n3A = arith.select %and3A, %broadcast_in_dim3A, %broadcast_in_dim3A_148 : vector<16xi1>, vector<16xf32>
      %swap3A_149 = arith.index_cast %mul3A_133 : i32 to index
      %swap3A_150 = tpu.vector_load %arg9[%swap3A_149] {strides = array<i32>} : memref<8192xf32, #tpu.memory_space<vmem>>, vector<16xf32>,
      %swap3A_151 = vector.shape_cast %swap3A_150 : vector<16xf32> to vector<16xf32>
      %swap3A_152 = vector.shape_cast %select_n3A : vector<16xf32> to vector<16xf32>
      tpu.vector_store %arg9[%swap3A_149], %swap3A_152 {strides = array<i32>} : memref<8192xf32, #tpu.memory_space<vmem>>, vector<16xf32>,
      %mul3A_153 = arith.constant 4 : i32
      %mul3A_154 = arith.muli %scan3A_126, %mul3A_153 : i32
      %add3A_155 = arith.constant 1 : i32
      %add3A_156 = arith.addi %mul3A_154, %add3A_155 : i32
      %mul3A_157 = arith.constant 16 : i32
      %mul3A_158 = arith.muli %add3A_156, %mul3A_157 : i32
      %get3A_159 = arith.index_cast %mul3A_158 : i32 to index
      %get3A_160 = tpu.vector_load %arg5[%get3A_159] {strides = array<i32>} : memref<8192xi32, #tpu.memory_space<vmem>>, vector<16xi32>,
      %get3A_161 = vector.shape_cast %get3A_160 : vector<16xi32> to vector<16xi32>
      %sub3A_162 = vector.broadcast %mul3A_0 : i32 to vector<16xi32>
      %sub3A_163 = arith.subi %get3A_161, %sub3A_162 : vector<16xi32>
      %ge3A_164 = arith.constant 0 : i32
      %ge3A_165 = vector.broadcast %ge3A_164 : i32 to vector<16xi32>
      %ge3A_166 = arith.cmpi sge, %sub3A_163, %ge3A_165 : vector<16xi32>
      %lt3A_167 = arith.constant 1048576 : i32
      %lt3A_168 = vector.broadcast %lt3A_167 : i32 to vector<16xi32>
      %lt3A_169 = arith.cmpi slt, %sub3A_163, %lt3A_168 : vector<16xi32>
      %and3A_170 = arith.andi %ge3A_166, %lt3A_169 : vector<16xi1>
      %and3A_171 = arith.constant 1048575 : i32
      %and3A_172 = vector.broadcast %and3A_171 : i32 to vector<16xi32>
      %and3A_173 = arith.andi %sub3A_163, %and3A_172 : vector<16xi32>
      %swap3A_174 = arith.index_cast %mul3A_158 : i32 to index
      %swap3A_175 = tpu.vector_load %arg7[%swap3A_174] {strides = array<i32>} : memref<8192xi32, #tpu.memory_space<vmem>>, vector<16xi32>,
      %swap3A_176 = vector.shape_cast %swap3A_175 : vector<16xi32> to vector<16xi32>
      %swap3A_177 = vector.shape_cast %and3A_173 : vector<16xi32> to vector<16xi32>
      tpu.vector_store %arg7[%swap3A_174], %swap3A_177 {strides = array<i32>} : memref<8192xi32, #tpu.memory_space<vmem>>, vector<16xi32>,
      %jit3A_178 = arith.constant 1.000000e+00 : f32
      %jit3A_179 = arith.constant 0.000000e+00 : f32
      %broadcast_in_dim3A_180 = vector.broadcast %jit3A_178 : f32 to vector<16xf32>
      %broadcast_in_dim3A_181 = vector.broadcast %jit3A_179 : f32 to vector<16xf32>
      %select_n3A_182 = arith.select %and3A_170, %broadcast_in_dim3A_180, %broadcast_in_dim3A_181 : vector<16xi1>, vector<16xf32>
      %swap3A_183 = arith.index_cast %mul3A_158 : i32 to index
      %swap3A_184 = tpu.vector_load %arg9[%swap3A_183] {strides = array<i32>} : memref<8192xf32, #tpu.memory_space<vmem>>, vector<16xf32>,
      %swap3A_185 = vector.shape_cast %swap3A_184 : vector<16xf32> to vector<16xf32>
      %swap3A_186 = vector.shape_cast %select_n3A_182 : vector<16xf32> to vector<16xf32>
      tpu.vector_store %arg9[%swap3A_183], %swap3A_186 {strides = array<i32>} : memref<8192xf32, #tpu.memory_space<vmem>>, vector<16xf32>,
      %mul3A_187 = arith.constant 4 : i32
      %mul3A_188 = arith.muli %scan3A_126, %mul3A_187 : i32
      %add3A_189 = arith.constant 2 : i32
      %add3A_190 = arith.addi %mul3A_188, %add3A_189 : i32
      %mul3A_191 = arith.constant 16 : i32
      %mul3A_192 = arith.muli %add3A_190, %mul3A_191 : i32
      %get3A_193 = arith.index_cast %mul3A_192 : i32 to index
      %get3A_194 = tpu.vector_load %arg5[%get3A_193] {strides = array<i32>} : memref<8192xi32, #tpu.memory_space<vmem>>, vector<16xi32>,
      %get3A_195 = vector.shape_cast %get3A_194 : vector<16xi32> to vector<16xi32>
      %sub3A_196 = vector.broadcast %mul3A_0 : i32 to vector<16xi32>
      %sub3A_197 = arith.subi %get3A_195, %sub3A_196 : vector<16xi32>
      %ge3A_198 = arith.constant 0 : i32
      %ge3A_199 = vector.broadcast %ge3A_198 : i32 to vector<16xi32>
      %ge3A_200 = arith.cmpi sge, %sub3A_197, %ge3A_199 : vector<16xi32>
      %lt3A_201 = arith.constant 1048576 : i32
      %lt3A_202 = vector.broadcast %lt3A_201 : i32 to vector<16xi32>
      %lt3A_203 = arith.cmpi slt, %sub3A_197, %lt3A_202 : vector<16xi32>
      %and3A_204 = arith.andi %ge3A_200, %lt3A_203 : vector<16xi1>
      %and3A_205 = arith.constant 1048575 : i32
      %and3A_206 = vector.broadcast %and3A_205 : i32 to vector<16xi32>
      %and3A_207 = arith.andi %sub3A_197, %and3A_206 : vector<16xi32>
      %swap3A_208 = arith.index_cast %mul3A_192 : i32 to index
      %swap3A_209 = tpu.vector_load %arg7[%swap3A_208] {strides = array<i32>} : memref<8192xi32, #tpu.memory_space<vmem>>, vector<16xi32>,
      %swap3A_210 = vector.shape_cast %swap3A_209 : vector<16xi32> to vector<16xi32>
      %swap3A_211 = vector.shape_cast %and3A_207 : vector<16xi32> to vector<16xi32>
      tpu.vector_store %arg7[%swap3A_208], %swap3A_211 {strides = array<i32>} : memref<8192xi32, #tpu.memory_space<vmem>>, vector<16xi32>,
      %jit3A_212 = arith.constant 1.000000e+00 : f32
      %jit3A_213 = arith.constant 0.000000e+00 : f32
      %broadcast_in_dim3A_214 = vector.broadcast %jit3A_212 : f32 to vector<16xf32>
      %broadcast_in_dim3A_215 = vector.broadcast %jit3A_213 : f32 to vector<16xf32>
      %select_n3A_216 = arith.select %and3A_204, %broadcast_in_dim3A_214, %broadcast_in_dim3A_215 : vector<16xi1>, vector<16xf32>
      %swap3A_217 = arith.index_cast %mul3A_192 : i32 to index
      %swap3A_218 = tpu.vector_load %arg9[%swap3A_217] {strides = array<i32>} : memref<8192xf32, #tpu.memory_space<vmem>>, vector<16xf32>,
      %swap3A_219 = vector.shape_cast %swap3A_218 : vector<16xf32> to vector<16xf32>
      %swap3A_220 = vector.shape_cast %select_n3A_216 : vector<16xf32> to vector<16xf32>
      tpu.vector_store %arg9[%swap3A_217], %swap3A_220 {strides = array<i32>} : memref<8192xf32, #tpu.memory_space<vmem>>, vector<16xf32>,
      %mul3A_221 = arith.constant 4 : i32
      %mul3A_222 = arith.muli %scan3A_126, %mul3A_221 : i32
      %add3A_223 = arith.constant 3 : i32
      %add3A_224 = arith.addi %mul3A_222, %add3A_223 : i32
      %mul3A_225 = arith.constant 16 : i32
      %mul3A_226 = arith.muli %add3A_224, %mul3A_225 : i32
      %get3A_227 = arith.index_cast %mul3A_226 : i32 to index
      %get3A_228 = tpu.vector_load %arg5[%get3A_227] {strides = array<i32>} : memref<8192xi32, #tpu.memory_space<vmem>>, vector<16xi32>,
      %get3A_229 = vector.shape_cast %get3A_228 : vector<16xi32> to vector<16xi32>
      %sub3A_230 = vector.broadcast %mul3A_0 : i32 to vector<16xi32>
      %sub3A_231 = arith.subi %get3A_229, %sub3A_230 : vector<16xi32>
      %ge3A_232 = arith.constant 0 : i32
      %ge3A_233 = vector.broadcast %ge3A_232 : i32 to vector<16xi32>
      %ge3A_234 = arith.cmpi sge, %sub3A_231, %ge3A_233 : vector<16xi32>
      %lt3A_235 = arith.constant 1048576 : i32
      %lt3A_236 = vector.broadcast %lt3A_235 : i32 to vector<16xi32>
      %lt3A_237 = arith.cmpi slt, %sub3A_231, %lt3A_236 : vector<16xi32>
      %and3A_238 = arith.andi %ge3A_234, %lt3A_237 : vector<16xi1>
      %and3A_239 = arith.constant 1048575 : i32
      %and3A_240 = vector.broadcast %and3A_239 : i32 to vector<16xi32>
      %and3A_241 = arith.andi %sub3A_231, %and3A_240 : vector<16xi32>
      %swap3A_242 = arith.index_cast %mul3A_226 : i32 to index
      %swap3A_243 = tpu.vector_load %arg7[%swap3A_242] {strides = array<i32>} : memref<8192xi32, #tpu.memory_space<vmem>>, vector<16xi32>,
      %swap3A_244 = vector.shape_cast %swap3A_243 : vector<16xi32> to vector<16xi32>
      %swap3A_245 = vector.shape_cast %and3A_241 : vector<16xi32> to vector<16xi32>
      tpu.vector_store %arg7[%swap3A_242], %swap3A_245 {strides = array<i32>} : memref<8192xi32, #tpu.memory_space<vmem>>, vector<16xi32>,
      %jit3A_246 = arith.constant 1.000000e+00 : f32
      %jit3A_247 = arith.constant 0.000000e+00 : f32
      %broadcast_in_dim3A_248 = vector.broadcast %jit3A_246 : f32 to vector<16xf32>
      %broadcast_in_dim3A_249 = vector.broadcast %jit3A_247 : f32 to vector<16xf32>
      %select_n3A_250 = arith.select %and3A_238, %broadcast_in_dim3A_248, %broadcast_in_dim3A_249 : vector<16xi1>, vector<16xf32>
      %swap3A_251 = arith.index_cast %mul3A_226 : i32 to index
      %swap3A_252 = tpu.vector_load %arg9[%swap3A_251] {strides = array<i32>} : memref<8192xf32, #tpu.memory_space<vmem>>, vector<16xf32>,
      %swap3A_253 = vector.shape_cast %swap3A_252 : vector<16xf32> to vector<16xf32>
      %swap3A_254 = vector.shape_cast %select_n3A_250 : vector<16xf32> to vector<16xf32>
      tpu.vector_store %arg9[%swap3A_251], %swap3A_254 {strides = array<i32>} : memref<8192xf32, #tpu.memory_space<vmem>>, vector<16xf32>,
      %scan3A_255 = arith.constant 0 : i32
      scf.yield %scan3A_255 : i32
    }
    %scan3A_87 = arith.constant 128 : i32
    %add3A_88 = arith.constant 24576 : i32
    %add3A_89 = arith.addi %mul3A_4, %add3A_88 : i32
    %dma_start3A_90 = tpu.memref_slice %arg2[%add3A_89] : memref<524288xi32, #tpu.memory_space<hbm>> -> memref<8192xi32, #tpu.memory_space<hbm>>
    %dma_start3A_91 = tpu.memref_slice %arg2[%add3A_89] : memref<524288xi32, #tpu.memory_space<hbm>> -> memref<8192xi32, #tpu.memory_space<hbm>>
    tpu.enqueue_dma source(%dma_start3A_91 : memref<8192xi32, #tpu.memory_space<hbm>>) target(%arg5 : memref<8192xi32, #tpu.memory_space<vmem>>) target_semaphore(%arg13 : memref<!tpu.dma_semaphore, #tpu.memory_space<semaphore_mem>>)
    %dma_start3A_92 = arith.constant 0 : i32
    %dma_start3A_93 = tpu.memref_slice %arg11[%dma_start3A_92] : memref<1048576xf32, #tpu.memory_space<vmem_shared>> -> memref<1048576xf32, #tpu.memory_space<vmem_shared>>
    tpu.enqueue_indirect_dma source(%arg9 : memref<8192xf32, #tpu.memory_space<vmem>>) target(%dma_start3A_93 : memref<1048576xf32, #tpu.memory_space<vmem_shared>>) offsets(%arg7 : memref<8192xi32, #tpu.memory_space<vmem>>) semaphore(%arg15 : memref<!tpu.dma_semaphore, #tpu.memory_space<semaphore_mem>>) {add = true}
    %dma_wait3A_94 = tpu.memref_slice %arg2[%add3A_74] : memref<524288xi32, #tpu.memory_space<hbm>> -> memref<8192xi32, #tpu.memory_space<hbm>>
    %dma_wait3A_95 = tpu.memref_slice %arg2[%add3A_74] : memref<524288xi32, #tpu.memory_space<hbm>> -> memref<8192xi32, #tpu.memory_space<hbm>>
    tpu.wait_dma2 semaphore(%arg12 : memref<!tpu.dma_semaphore, #tpu.memory_space<semaphore_mem>>) src(%dma_wait3A_95 : memref<8192xi32, #tpu.memory_space<hbm>>) dst(%arg4 : memref<8192xi32, #tpu.memory_space<vmem>>)
    %dma_wait3A_96 = arith.constant 0 : i32
    %dma_wait3A_97 = tpu.memref_slice %arg11[%dma_wait3A_96] : memref<1048576xf32, #tpu.memory_space<vmem_shared>> -> memref<1048576xf32, #tpu.memory_space<vmem_shared>>
    tpu.wait_indirect_dma semaphore(%arg14 : memref<!tpu.dma_semaphore, #tpu.memory_space<semaphore_mem>>) src(%arg8 : memref<8192xf32, #tpu.memory_space<vmem>>) dst(%dma_wait3A_97 : memref<1048576xf32, #tpu.memory_space<vmem_shared>>)
    %scan3A_98 = arith.constant 0 : i32
    %scan3A_99 = arith.constant 0 : i32
    %scan3A_100 = arith.constant 128 : i32
    %scan3A_101 = arith.addi %scan3A_99, %scan3A_100 : i32
    %scan3A_102 = arith.constant 1 : i32
    %scan3A_103 = scf.for %scan3A_126 = %scan3A_99 to %scan3A_101 step %scan3A_102 iter_args(%scan3A_127 = %scan3A_98) -> (i32)  : i32 {
      %mul3A_128 = arith.constant 4 : i32
      %mul3A_129 = arith.muli %scan3A_126, %mul3A_128 : i32
      %add3A_130 = arith.constant 0 : i32
      %add3A_131 = arith.addi %mul3A_129, %add3A_130 : i32
      %mul3A_132 = arith.constant 16 : i32
      %mul3A_133 = arith.muli %add3A_131, %mul3A_132 : i32
      %get3A = arith.index_cast %mul3A_133 : i32 to index
      %get3A_134 = tpu.vector_load %arg4[%get3A] {strides = array<i32>} : memref<8192xi32, #tpu.memory_space<vmem>>, vector<16xi32>,
      %get3A_135 = vector.shape_cast %get3A_134 : vector<16xi32> to vector<16xi32>
      %sub3A = vector.broadcast %mul3A_0 : i32 to vector<16xi32>
      %sub3A_136 = arith.subi %get3A_135, %sub3A : vector<16xi32>
      %ge3A = arith.constant 0 : i32
      %ge3A_137 = vector.broadcast %ge3A : i32 to vector<16xi32>
      %ge3A_138 = arith.cmpi sge, %sub3A_136, %ge3A_137 : vector<16xi32>
      %lt3A = arith.constant 1048576 : i32
      %lt3A_139 = vector.broadcast %lt3A : i32 to vector<16xi32>
      %lt3A_140 = arith.cmpi slt, %sub3A_136, %lt3A_139 : vector<16xi32>
      %and3A = arith.andi %ge3A_138, %lt3A_140 : vector<16xi1>
      %and3A_141 = arith.constant 1048575 : i32
      %and3A_142 = vector.broadcast %and3A_141 : i32 to vector<16xi32>
      %and3A_143 = arith.andi %sub3A_136, %and3A_142 : vector<16xi32>
      %swap3A = arith.index_cast %mul3A_133 : i32 to index
      %swap3A_144 = tpu.vector_load %arg6[%swap3A] {strides = array<i32>} : memref<8192xi32, #tpu.memory_space<vmem>>, vector<16xi32>,
      %swap3A_145 = vector.shape_cast %swap3A_144 : vector<16xi32> to vector<16xi32>
      %swap3A_146 = vector.shape_cast %and3A_143 : vector<16xi32> to vector<16xi32>
      tpu.vector_store %arg6[%swap3A], %swap3A_146 {strides = array<i32>} : memref<8192xi32, #tpu.memory_space<vmem>>, vector<16xi32>,
      %jit3A = arith.constant 1.000000e+00 : f32
      %jit3A_147 = arith.constant 0.000000e+00 : f32
      %broadcast_in_dim3A = vector.broadcast %jit3A : f32 to vector<16xf32>
      %broadcast_in_dim3A_148 = vector.broadcast %jit3A_147 : f32 to vector<16xf32>
      %select_n3A = arith.select %and3A, %broadcast_in_dim3A, %broadcast_in_dim3A_148 : vector<16xi1>, vector<16xf32>
      %swap3A_149 = arith.index_cast %mul3A_133 : i32 to index
      %swap3A_150 = tpu.vector_load %arg8[%swap3A_149] {strides = array<i32>} : memref<8192xf32, #tpu.memory_space<vmem>>, vector<16xf32>,
      %swap3A_151 = vector.shape_cast %swap3A_150 : vector<16xf32> to vector<16xf32>
      %swap3A_152 = vector.shape_cast %select_n3A : vector<16xf32> to vector<16xf32>
      tpu.vector_store %arg8[%swap3A_149], %swap3A_152 {strides = array<i32>} : memref<8192xf32, #tpu.memory_space<vmem>>, vector<16xf32>,
      %mul3A_153 = arith.constant 4 : i32
      %mul3A_154 = arith.muli %scan3A_126, %mul3A_153 : i32
      %add3A_155 = arith.constant 1 : i32
      %add3A_156 = arith.addi %mul3A_154, %add3A_155 : i32
      %mul3A_157 = arith.constant 16 : i32
      %mul3A_158 = arith.muli %add3A_156, %mul3A_157 : i32
      %get3A_159 = arith.index_cast %mul3A_158 : i32 to index
      %get3A_160 = tpu.vector_load %arg4[%get3A_159] {strides = array<i32>} : memref<8192xi32, #tpu.memory_space<vmem>>, vector<16xi32>,
      %get3A_161 = vector.shape_cast %get3A_160 : vector<16xi32> to vector<16xi32>
      %sub3A_162 = vector.broadcast %mul3A_0 : i32 to vector<16xi32>
      %sub3A_163 = arith.subi %get3A_161, %sub3A_162 : vector<16xi32>
      %ge3A_164 = arith.constant 0 : i32
      %ge3A_165 = vector.broadcast %ge3A_164 : i32 to vector<16xi32>
      %ge3A_166 = arith.cmpi sge, %sub3A_163, %ge3A_165 : vector<16xi32>
      %lt3A_167 = arith.constant 1048576 : i32
      %lt3A_168 = vector.broadcast %lt3A_167 : i32 to vector<16xi32>
      %lt3A_169 = arith.cmpi slt, %sub3A_163, %lt3A_168 : vector<16xi32>
      %and3A_170 = arith.andi %ge3A_166, %lt3A_169 : vector<16xi1>
      %and3A_171 = arith.constant 1048575 : i32
      %and3A_172 = vector.broadcast %and3A_171 : i32 to vector<16xi32>
      %and3A_173 = arith.andi %sub3A_163, %and3A_172 : vector<16xi32>
      %swap3A_174 = arith.index_cast %mul3A_158 : i32 to index
      %swap3A_175 = tpu.vector_load %arg6[%swap3A_174] {strides = array<i32>} : memref<8192xi32, #tpu.memory_space<vmem>>, vector<16xi32>,
      %swap3A_176 = vector.shape_cast %swap3A_175 : vector<16xi32> to vector<16xi32>
      %swap3A_177 = vector.shape_cast %and3A_173 : vector<16xi32> to vector<16xi32>
      tpu.vector_store %arg6[%swap3A_174], %swap3A_177 {strides = array<i32>} : memref<8192xi32, #tpu.memory_space<vmem>>, vector<16xi32>,
      %jit3A_178 = arith.constant 1.000000e+00 : f32
      %jit3A_179 = arith.constant 0.000000e+00 : f32
      %broadcast_in_dim3A_180 = vector.broadcast %jit3A_178 : f32 to vector<16xf32>
      %broadcast_in_dim3A_181 = vector.broadcast %jit3A_179 : f32 to vector<16xf32>
      %select_n3A_182 = arith.select %and3A_170, %broadcast_in_dim3A_180, %broadcast_in_dim3A_181 : vector<16xi1>, vector<16xf32>
      %swap3A_183 = arith.index_cast %mul3A_158 : i32 to index
      %swap3A_184 = tpu.vector_load %arg8[%swap3A_183] {strides = array<i32>} : memref<8192xf32, #tpu.memory_space<vmem>>, vector<16xf32>,
      %swap3A_185 = vector.shape_cast %swap3A_184 : vector<16xf32> to vector<16xf32>
      %swap3A_186 = vector.shape_cast %select_n3A_182 : vector<16xf32> to vector<16xf32>
      tpu.vector_store %arg8[%swap3A_183], %swap3A_186 {strides = array<i32>} : memref<8192xf32, #tpu.memory_space<vmem>>, vector<16xf32>,
      %mul3A_187 = arith.constant 4 : i32
      %mul3A_188 = arith.muli %scan3A_126, %mul3A_187 : i32
      %add3A_189 = arith.constant 2 : i32
      %add3A_190 = arith.addi %mul3A_188, %add3A_189 : i32
      %mul3A_191 = arith.constant 16 : i32
      %mul3A_192 = arith.muli %add3A_190, %mul3A_191 : i32
      %get3A_193 = arith.index_cast %mul3A_192 : i32 to index
      %get3A_194 = tpu.vector_load %arg4[%get3A_193] {strides = array<i32>} : memref<8192xi32, #tpu.memory_space<vmem>>, vector<16xi32>,
      %get3A_195 = vector.shape_cast %get3A_194 : vector<16xi32> to vector<16xi32>
      %sub3A_196 = vector.broadcast %mul3A_0 : i32 to vector<16xi32>
      %sub3A_197 = arith.subi %get3A_195, %sub3A_196 : vector<16xi32>
      %ge3A_198 = arith.constant 0 : i32
      %ge3A_199 = vector.broadcast %ge3A_198 : i32 to vector<16xi32>
      %ge3A_200 = arith.cmpi sge, %sub3A_197, %ge3A_199 : vector<16xi32>
      %lt3A_201 = arith.constant 1048576 : i32
      %lt3A_202 = vector.broadcast %lt3A_201 : i32 to vector<16xi32>
      %lt3A_203 = arith.cmpi slt, %sub3A_197, %lt3A_202 : vector<16xi32>
      %and3A_204 = arith.andi %ge3A_200, %lt3A_203 : vector<16xi1>
      %and3A_205 = arith.constant 1048575 : i32
      %and3A_206 = vector.broadcast %and3A_205 : i32 to vector<16xi32>
      %and3A_207 = arith.andi %sub3A_197, %and3A_206 : vector<16xi32>
      %swap3A_208 = arith.index_cast %mul3A_192 : i32 to index
      %swap3A_209 = tpu.vector_load %arg6[%swap3A_208] {strides = array<i32>} : memref<8192xi32, #tpu.memory_space<vmem>>, vector<16xi32>,
      %swap3A_210 = vector.shape_cast %swap3A_209 : vector<16xi32> to vector<16xi32>
      %swap3A_211 = vector.shape_cast %and3A_207 : vector<16xi32> to vector<16xi32>
      tpu.vector_store %arg6[%swap3A_208], %swap3A_211 {strides = array<i32>} : memref<8192xi32, #tpu.memory_space<vmem>>, vector<16xi32>,
      %jit3A_212 = arith.constant 1.000000e+00 : f32
      %jit3A_213 = arith.constant 0.000000e+00 : f32
      %broadcast_in_dim3A_214 = vector.broadcast %jit3A_212 : f32 to vector<16xf32>
      %broadcast_in_dim3A_215 = vector.broadcast %jit3A_213 : f32 to vector<16xf32>
      %select_n3A_216 = arith.select %and3A_204, %broadcast_in_dim3A_214, %broadcast_in_dim3A_215 : vector<16xi1>, vector<16xf32>
      %swap3A_217 = arith.index_cast %mul3A_192 : i32 to index
      %swap3A_218 = tpu.vector_load %arg8[%swap3A_217] {strides = array<i32>} : memref<8192xf32, #tpu.memory_space<vmem>>, vector<16xf32>,
      %swap3A_219 = vector.shape_cast %swap3A_218 : vector<16xf32> to vector<16xf32>
      %swap3A_220 = vector.shape_cast %select_n3A_216 : vector<16xf32> to vector<16xf32>
      tpu.vector_store %arg8[%swap3A_217], %swap3A_220 {strides = array<i32>} : memref<8192xf32, #tpu.memory_space<vmem>>, vector<16xf32>,
      %mul3A_221 = arith.constant 4 : i32
      %mul3A_222 = arith.muli %scan3A_126, %mul3A_221 : i32
      %add3A_223 = arith.constant 3 : i32
      %add3A_224 = arith.addi %mul3A_222, %add3A_223 : i32
      %mul3A_225 = arith.constant 16 : i32
      %mul3A_226 = arith.muli %add3A_224, %mul3A_225 : i32
      %get3A_227 = arith.index_cast %mul3A_226 : i32 to index
      %get3A_228 = tpu.vector_load %arg4[%get3A_227] {strides = array<i32>} : memref<8192xi32, #tpu.memory_space<vmem>>, vector<16xi32>,
      %get3A_229 = vector.shape_cast %get3A_228 : vector<16xi32> to vector<16xi32>
      %sub3A_230 = vector.broadcast %mul3A_0 : i32 to vector<16xi32>
      %sub3A_231 = arith.subi %get3A_229, %sub3A_230 : vector<16xi32>
      %ge3A_232 = arith.constant 0 : i32
      %ge3A_233 = vector.broadcast %ge3A_232 : i32 to vector<16xi32>
      %ge3A_234 = arith.cmpi sge, %sub3A_231, %ge3A_233 : vector<16xi32>
      %lt3A_235 = arith.constant 1048576 : i32
      %lt3A_236 = vector.broadcast %lt3A_235 : i32 to vector<16xi32>
      %lt3A_237 = arith.cmpi slt, %sub3A_231, %lt3A_236 : vector<16xi32>
      %and3A_238 = arith.andi %ge3A_234, %lt3A_237 : vector<16xi1>
      %and3A_239 = arith.constant 1048575 : i32
      %and3A_240 = vector.broadcast %and3A_239 : i32 to vector<16xi32>
      %and3A_241 = arith.andi %sub3A_231, %and3A_240 : vector<16xi32>
      %swap3A_242 = arith.index_cast %mul3A_226 : i32 to index
      %swap3A_243 = tpu.vector_load %arg6[%swap3A_242] {strides = array<i32>} : memref<8192xi32, #tpu.memory_space<vmem>>, vector<16xi32>,
      %swap3A_244 = vector.shape_cast %swap3A_243 : vector<16xi32> to vector<16xi32>
      %swap3A_245 = vector.shape_cast %and3A_241 : vector<16xi32> to vector<16xi32>
      tpu.vector_store %arg6[%swap3A_242], %swap3A_245 {strides = array<i32>} : memref<8192xi32, #tpu.memory_space<vmem>>, vector<16xi32>,
      %jit3A_246 = arith.constant 1.000000e+00 : f32
      %jit3A_247 = arith.constant 0.000000e+00 : f32
      %broadcast_in_dim3A_248 = vector.broadcast %jit3A_246 : f32 to vector<16xf32>
      %broadcast_in_dim3A_249 = vector.broadcast %jit3A_247 : f32 to vector<16xf32>
      %select_n3A_250 = arith.select %and3A_238, %broadcast_in_dim3A_248, %broadcast_in_dim3A_249 : vector<16xi1>, vector<16xf32>
      %swap3A_251 = arith.index_cast %mul3A_226 : i32 to index
      %swap3A_252 = tpu.vector_load %arg8[%swap3A_251] {strides = array<i32>} : memref<8192xf32, #tpu.memory_space<vmem>>, vector<16xf32>,
      %swap3A_253 = vector.shape_cast %swap3A_252 : vector<16xf32> to vector<16xf32>
      %swap3A_254 = vector.shape_cast %select_n3A_250 : vector<16xf32> to vector<16xf32>
      tpu.vector_store %arg8[%swap3A_251], %swap3A_254 {strides = array<i32>} : memref<8192xf32, #tpu.memory_space<vmem>>, vector<16xf32>,
      %scan3A_255 = arith.constant 0 : i32
      scf.yield %scan3A_255 : i32
    }
    %scan3A_104 = arith.constant 128 : i32
    %dma_start3A_105 = arith.constant 0 : i32
    %dma_start3A_106 = tpu.memref_slice %arg11[%dma_start3A_105] : memref<1048576xf32, #tpu.memory_space<vmem_shared>> -> memref<1048576xf32, #tpu.memory_space<vmem_shared>>
    tpu.enqueue_indirect_dma source(%arg8 : memref<8192xf32, #tpu.memory_space<vmem>>) target(%dma_start3A_106 : memref<1048576xf32, #tpu.memory_space<vmem_shared>>) offsets(%arg6 : memref<8192xi32, #tpu.memory_space<vmem>>) semaphore(%arg14 : memref<!tpu.dma_semaphore, #tpu.memory_space<semaphore_mem>>) {add = true}
    %dma_wait3A_107 = tpu.memref_slice %arg2[%add3A_89] : memref<524288xi32, #tpu.memory_space<hbm>> -> memref<8192xi32, #tpu.memory_space<hbm>>
    %dma_wait3A_108 = tpu.memref_slice %arg2[%add3A_89] : memref<524288xi32, #tpu.memory_space<hbm>> -> memref<8192xi32, #tpu.memory_space<hbm>>
    tpu.wait_dma2 semaphore(%arg13 : memref<!tpu.dma_semaphore, #tpu.memory_space<semaphore_mem>>) src(%dma_wait3A_108 : memref<8192xi32, #tpu.memory_space<hbm>>) dst(%arg5 : memref<8192xi32, #tpu.memory_space<vmem>>)
    %dma_wait3A_109 = arith.constant 0 : i32
    %dma_wait3A_110 = tpu.memref_slice %arg11[%dma_wait3A_109] : memref<1048576xf32, #tpu.memory_space<vmem_shared>> -> memref<1048576xf32, #tpu.memory_space<vmem_shared>>
    tpu.wait_indirect_dma semaphore(%arg15 : memref<!tpu.dma_semaphore, #tpu.memory_space<semaphore_mem>>) src(%arg9 : memref<8192xf32, #tpu.memory_space<vmem>>) dst(%dma_wait3A_110 : memref<1048576xf32, #tpu.memory_space<vmem_shared>>)
    %scan3A_111 = arith.constant 0 : i32
    %scan3A_112 = arith.constant 0 : i32
    %scan3A_113 = arith.constant 128 : i32
    %scan3A_114 = arith.addi %scan3A_112, %scan3A_113 : i32
    %scan3A_115 = arith.constant 1 : i32
    %scan3A_116 = scf.for %scan3A_126 = %scan3A_112 to %scan3A_114 step %scan3A_115 iter_args(%scan3A_127 = %scan3A_111) -> (i32)  : i32 {
      %mul3A_128 = arith.constant 4 : i32
      %mul3A_129 = arith.muli %scan3A_126, %mul3A_128 : i32
      %add3A_130 = arith.constant 0 : i32
      %add3A_131 = arith.addi %mul3A_129, %add3A_130 : i32
      %mul3A_132 = arith.constant 16 : i32
      %mul3A_133 = arith.muli %add3A_131, %mul3A_132 : i32
      %get3A = arith.index_cast %mul3A_133 : i32 to index
      %get3A_134 = tpu.vector_load %arg5[%get3A] {strides = array<i32>} : memref<8192xi32, #tpu.memory_space<vmem>>, vector<16xi32>,
      %get3A_135 = vector.shape_cast %get3A_134 : vector<16xi32> to vector<16xi32>
      %sub3A = vector.broadcast %mul3A_0 : i32 to vector<16xi32>
      %sub3A_136 = arith.subi %get3A_135, %sub3A : vector<16xi32>
      %ge3A = arith.constant 0 : i32
      %ge3A_137 = vector.broadcast %ge3A : i32 to vector<16xi32>
      %ge3A_138 = arith.cmpi sge, %sub3A_136, %ge3A_137 : vector<16xi32>
      %lt3A = arith.constant 1048576 : i32
      %lt3A_139 = vector.broadcast %lt3A : i32 to vector<16xi32>
      %lt3A_140 = arith.cmpi slt, %sub3A_136, %lt3A_139 : vector<16xi32>
      %and3A = arith.andi %ge3A_138, %lt3A_140 : vector<16xi1>
      %and3A_141 = arith.constant 1048575 : i32
      %and3A_142 = vector.broadcast %and3A_141 : i32 to vector<16xi32>
      %and3A_143 = arith.andi %sub3A_136, %and3A_142 : vector<16xi32>
      %swap3A = arith.index_cast %mul3A_133 : i32 to index
      %swap3A_144 = tpu.vector_load %arg7[%swap3A] {strides = array<i32>} : memref<8192xi32, #tpu.memory_space<vmem>>, vector<16xi32>,
      %swap3A_145 = vector.shape_cast %swap3A_144 : vector<16xi32> to vector<16xi32>
      %swap3A_146 = vector.shape_cast %and3A_143 : vector<16xi32> to vector<16xi32>
      tpu.vector_store %arg7[%swap3A], %swap3A_146 {strides = array<i32>} : memref<8192xi32, #tpu.memory_space<vmem>>, vector<16xi32>,
      %jit3A = arith.constant 1.000000e+00 : f32
      %jit3A_147 = arith.constant 0.000000e+00 : f32
      %broadcast_in_dim3A = vector.broadcast %jit3A : f32 to vector<16xf32>
      %broadcast_in_dim3A_148 = vector.broadcast %jit3A_147 : f32 to vector<16xf32>
      %select_n3A = arith.select %and3A, %broadcast_in_dim3A, %broadcast_in_dim3A_148 : vector<16xi1>, vector<16xf32>
      %swap3A_149 = arith.index_cast %mul3A_133 : i32 to index
      %swap3A_150 = tpu.vector_load %arg9[%swap3A_149] {strides = array<i32>} : memref<8192xf32, #tpu.memory_space<vmem>>, vector<16xf32>,
      %swap3A_151 = vector.shape_cast %swap3A_150 : vector<16xf32> to vector<16xf32>
      %swap3A_152 = vector.shape_cast %select_n3A : vector<16xf32> to vector<16xf32>
      tpu.vector_store %arg9[%swap3A_149], %swap3A_152 {strides = array<i32>} : memref<8192xf32, #tpu.memory_space<vmem>>, vector<16xf32>,
      %mul3A_153 = arith.constant 4 : i32
      %mul3A_154 = arith.muli %scan3A_126, %mul3A_153 : i32
      %add3A_155 = arith.constant 1 : i32
      %add3A_156 = arith.addi %mul3A_154, %add3A_155 : i32
      %mul3A_157 = arith.constant 16 : i32
      %mul3A_158 = arith.muli %add3A_156, %mul3A_157 : i32
      %get3A_159 = arith.index_cast %mul3A_158 : i32 to index
      %get3A_160 = tpu.vector_load %arg5[%get3A_159] {strides = array<i32>} : memref<8192xi32, #tpu.memory_space<vmem>>, vector<16xi32>,
      %get3A_161 = vector.shape_cast %get3A_160 : vector<16xi32> to vector<16xi32>
      %sub3A_162 = vector.broadcast %mul3A_0 : i32 to vector<16xi32>
      %sub3A_163 = arith.subi %get3A_161, %sub3A_162 : vector<16xi32>
      %ge3A_164 = arith.constant 0 : i32
      %ge3A_165 = vector.broadcast %ge3A_164 : i32 to vector<16xi32>
      %ge3A_166 = arith.cmpi sge, %sub3A_163, %ge3A_165 : vector<16xi32>
      %lt3A_167 = arith.constant 1048576 : i32
      %lt3A_168 = vector.broadcast %lt3A_167 : i32 to vector<16xi32>
      %lt3A_169 = arith.cmpi slt, %sub3A_163, %lt3A_168 : vector<16xi32>
      %and3A_170 = arith.andi %ge3A_166, %lt3A_169 : vector<16xi1>
      %and3A_171 = arith.constant 1048575 : i32
      %and3A_172 = vector.broadcast %and3A_171 : i32 to vector<16xi32>
      %and3A_173 = arith.andi %sub3A_163, %and3A_172 : vector<16xi32>
      %swap3A_174 = arith.index_cast %mul3A_158 : i32 to index
      %swap3A_175 = tpu.vector_load %arg7[%swap3A_174] {strides = array<i32>} : memref<8192xi32, #tpu.memory_space<vmem>>, vector<16xi32>,
      %swap3A_176 = vector.shape_cast %swap3A_175 : vector<16xi32> to vector<16xi32>
      %swap3A_177 = vector.shape_cast %and3A_173 : vector<16xi32> to vector<16xi32>
      tpu.vector_store %arg7[%swap3A_174], %swap3A_177 {strides = array<i32>} : memref<8192xi32, #tpu.memory_space<vmem>>, vector<16xi32>,
      %jit3A_178 = arith.constant 1.000000e+00 : f32
      %jit3A_179 = arith.constant 0.000000e+00 : f32
      %broadcast_in_dim3A_180 = vector.broadcast %jit3A_178 : f32 to vector<16xf32>
      %broadcast_in_dim3A_181 = vector.broadcast %jit3A_179 : f32 to vector<16xf32>
      %select_n3A_182 = arith.select %and3A_170, %broadcast_in_dim3A_180, %broadcast_in_dim3A_181 : vector<16xi1>, vector<16xf32>
      %swap3A_183 = arith.index_cast %mul3A_158 : i32 to index
      %swap3A_184 = tpu.vector_load %arg9[%swap3A_183] {strides = array<i32>} : memref<8192xf32, #tpu.memory_space<vmem>>, vector<16xf32>,
      %swap3A_185 = vector.shape_cast %swap3A_184 : vector<16xf32> to vector<16xf32>
      %swap3A_186 = vector.shape_cast %select_n3A_182 : vector<16xf32> to vector<16xf32>
      tpu.vector_store %arg9[%swap3A_183], %swap3A_186 {strides = array<i32>} : memref<8192xf32, #tpu.memory_space<vmem>>, vector<16xf32>,
      %mul3A_187 = arith.constant 4 : i32
      %mul3A_188 = arith.muli %scan3A_126, %mul3A_187 : i32
      %add3A_189 = arith.constant 2 : i32
      %add3A_190 = arith.addi %mul3A_188, %add3A_189 : i32
      %mul3A_191 = arith.constant 16 : i32
      %mul3A_192 = arith.muli %add3A_190, %mul3A_191 : i32
      %get3A_193 = arith.index_cast %mul3A_192 : i32 to index
      %get3A_194 = tpu.vector_load %arg5[%get3A_193] {strides = array<i32>} : memref<8192xi32, #tpu.memory_space<vmem>>, vector<16xi32>,
      %get3A_195 = vector.shape_cast %get3A_194 : vector<16xi32> to vector<16xi32>
      %sub3A_196 = vector.broadcast %mul3A_0 : i32 to vector<16xi32>
      %sub3A_197 = arith.subi %get3A_195, %sub3A_196 : vector<16xi32>
      %ge3A_198 = arith.constant 0 : i32
      %ge3A_199 = vector.broadcast %ge3A_198 : i32 to vector<16xi32>
      %ge3A_200 = arith.cmpi sge, %sub3A_197, %ge3A_199 : vector<16xi32>
      %lt3A_201 = arith.constant 1048576 : i32
      %lt3A_202 = vector.broadcast %lt3A_201 : i32 to vector<16xi32>
      %lt3A_203 = arith.cmpi slt, %sub3A_197, %lt3A_202 : vector<16xi32>
      %and3A_204 = arith.andi %ge3A_200, %lt3A_203 : vector<16xi1>
      %and3A_205 = arith.constant 1048575 : i32
      %and3A_206 = vector.broadcast %and3A_205 : i32 to vector<16xi32>
      %and3A_207 = arith.andi %sub3A_197, %and3A_206 : vector<16xi32>
      %swap3A_208 = arith.index_cast %mul3A_192 : i32 to index
      %swap3A_209 = tpu.vector_load %arg7[%swap3A_208] {strides = array<i32>} : memref<8192xi32, #tpu.memory_space<vmem>>, vector<16xi32>,
      %swap3A_210 = vector.shape_cast %swap3A_209 : vector<16xi32> to vector<16xi32>
      %swap3A_211 = vector.shape_cast %and3A_207 : vector<16xi32> to vector<16xi32>
      tpu.vector_store %arg7[%swap3A_208], %swap3A_211 {strides = array<i32>} : memref<8192xi32, #tpu.memory_space<vmem>>, vector<16xi32>,
      %jit3A_212 = arith.constant 1.000000e+00 : f32
      %jit3A_213 = arith.constant 0.000000e+00 : f32
      %broadcast_in_dim3A_214 = vector.broadcast %jit3A_212 : f32 to vector<16xf32>
      %broadcast_in_dim3A_215 = vector.broadcast %jit3A_213 : f32 to vector<16xf32>
      %select_n3A_216 = arith.select %and3A_204, %broadcast_in_dim3A_214, %broadcast_in_dim3A_215 : vector<16xi1>, vector<16xf32>
      %swap3A_217 = arith.index_cast %mul3A_192 : i32 to index
      %swap3A_218 = tpu.vector_load %arg9[%swap3A_217] {strides = array<i32>} : memref<8192xf32, #tpu.memory_space<vmem>>, vector<16xf32>,
      %swap3A_219 = vector.shape_cast %swap3A_218 : vector<16xf32> to vector<16xf32>
      %swap3A_220 = vector.shape_cast %select_n3A_216 : vector<16xf32> to vector<16xf32>
      tpu.vector_store %arg9[%swap3A_217], %swap3A_220 {strides = array<i32>} : memref<8192xf32, #tpu.memory_space<vmem>>, vector<16xf32>,
      %mul3A_221 = arith.constant 4 : i32
      %mul3A_222 = arith.muli %scan3A_126, %mul3A_221 : i32
      %add3A_223 = arith.constant 3 : i32
      %add3A_224 = arith.addi %mul3A_222, %add3A_223 : i32
      %mul3A_225 = arith.constant 16 : i32
      %mul3A_226 = arith.muli %add3A_224, %mul3A_225 : i32
      %get3A_227 = arith.index_cast %mul3A_226 : i32 to index
      %get3A_228 = tpu.vector_load %arg5[%get3A_227] {strides = array<i32>} : memref<8192xi32, #tpu.memory_space<vmem>>, vector<16xi32>,
      %get3A_229 = vector.shape_cast %get3A_228 : vector<16xi32> to vector<16xi32>
      %sub3A_230 = vector.broadcast %mul3A_0 : i32 to vector<16xi32>
      %sub3A_231 = arith.subi %get3A_229, %sub3A_230 : vector<16xi32>
      %ge3A_232 = arith.constant 0 : i32
      %ge3A_233 = vector.broadcast %ge3A_232 : i32 to vector<16xi32>
      %ge3A_234 = arith.cmpi sge, %sub3A_231, %ge3A_233 : vector<16xi32>
      %lt3A_235 = arith.constant 1048576 : i32
      %lt3A_236 = vector.broadcast %lt3A_235 : i32 to vector<16xi32>
      %lt3A_237 = arith.cmpi slt, %sub3A_231, %lt3A_236 : vector<16xi32>
      %and3A_238 = arith.andi %ge3A_234, %lt3A_237 : vector<16xi1>
      %and3A_239 = arith.constant 1048575 : i32
      %and3A_240 = vector.broadcast %and3A_239 : i32 to vector<16xi32>
      %and3A_241 = arith.andi %sub3A_231, %and3A_240 : vector<16xi32>
      %swap3A_242 = arith.index_cast %mul3A_226 : i32 to index
      %swap3A_243 = tpu.vector_load %arg7[%swap3A_242] {strides = array<i32>} : memref<8192xi32, #tpu.memory_space<vmem>>, vector<16xi32>,
      %swap3A_244 = vector.shape_cast %swap3A_243 : vector<16xi32> to vector<16xi32>
      %swap3A_245 = vector.shape_cast %and3A_241 : vector<16xi32> to vector<16xi32>
      tpu.vector_store %arg7[%swap3A_242], %swap3A_245 {strides = array<i32>} : memref<8192xi32, #tpu.memory_space<vmem>>, vector<16xi32>,
      %jit3A_246 = arith.constant 1.000000e+00 : f32
      %jit3A_247 = arith.constant 0.000000e+00 : f32
      %broadcast_in_dim3A_248 = vector.broadcast %jit3A_246 : f32 to vector<16xf32>
      %broadcast_in_dim3A_249 = vector.broadcast %jit3A_247 : f32 to vector<16xf32>
      %select_n3A_250 = arith.select %and3A_238, %broadcast_in_dim3A_248, %broadcast_in_dim3A_249 : vector<16xi1>, vector<16xf32>
      %swap3A_251 = arith.index_cast %mul3A_226 : i32 to index
      %swap3A_252 = tpu.vector_load %arg9[%swap3A_251] {strides = array<i32>} : memref<8192xf32, #tpu.memory_space<vmem>>, vector<16xf32>,
      %swap3A_253 = vector.shape_cast %swap3A_252 : vector<16xf32> to vector<16xf32>
      %swap3A_254 = vector.shape_cast %select_n3A_250 : vector<16xf32> to vector<16xf32>
      tpu.vector_store %arg9[%swap3A_251], %swap3A_254 {strides = array<i32>} : memref<8192xf32, #tpu.memory_space<vmem>>, vector<16xf32>,
      %scan3A_255 = arith.constant 0 : i32
      scf.yield %scan3A_255 : i32
    }
    %scan3A_117 = arith.constant 128 : i32
    %dma_start3A_118 = arith.constant 0 : i32
    %dma_start3A_119 = tpu.memref_slice %arg11[%dma_start3A_118] : memref<1048576xf32, #tpu.memory_space<vmem_shared>> -> memref<1048576xf32, #tpu.memory_space<vmem_shared>>
    tpu.enqueue_indirect_dma source(%arg9 : memref<8192xf32, #tpu.memory_space<vmem>>) target(%dma_start3A_119 : memref<1048576xf32, #tpu.memory_space<vmem_shared>>) offsets(%arg7 : memref<8192xi32, #tpu.memory_space<vmem>>) semaphore(%arg15 : memref<!tpu.dma_semaphore, #tpu.memory_space<semaphore_mem>>) {add = true}
    %dma_wait3A_120 = arith.constant 0 : i32
    %dma_wait3A_121 = tpu.memref_slice %arg11[%dma_wait3A_120] : memref<1048576xf32, #tpu.memory_space<vmem_shared>> -> memref<1048576xf32, #tpu.memory_space<vmem_shared>>
    tpu.wait_indirect_dma semaphore(%arg14 : memref<!tpu.dma_semaphore, #tpu.memory_space<semaphore_mem>>) src(%arg8 : memref<8192xf32, #tpu.memory_space<vmem>>) dst(%dma_wait3A_121 : memref<1048576xf32, #tpu.memory_space<vmem_shared>>)
    %dma_wait3A_122 = arith.constant 0 : i32
    %dma_wait3A_123 = tpu.memref_slice %arg11[%dma_wait3A_122] : memref<1048576xf32, #tpu.memory_space<vmem_shared>> -> memref<1048576xf32, #tpu.memory_space<vmem_shared>>
    tpu.wait_indirect_dma semaphore(%arg15 : memref<!tpu.dma_semaphore, #tpu.memory_space<semaphore_mem>>) src(%arg9 : memref<8192xf32, #tpu.memory_space<vmem>>) dst(%dma_wait3A_123 : memref<1048576xf32, #tpu.memory_space<vmem_shared>>)
    "tpu.region"() ({
      %run_scoped3A = tpu.sem_alloc : memref<!tpu.dma_semaphore, #tpu.memory_space<semaphore_mem>>
      %dma_start3A_126 = arith.constant 0 : i32
      %dma_start3A_127 = tpu.memref_slice %arg11[%dma_start3A_126] : memref<1048576xf32, #tpu.memory_space<vmem_shared>> -> memref<1048576xf32, #tpu.memory_space<vmem_shared>>
      tpu.enqueue_indirect_dma source(%arg10 : memref<8192xf32, #tpu.memory_space<vmem>>) target(%dma_start3A_127 : memref<1048576xf32, #tpu.memory_space<vmem_shared>>) offsets(%arg7 : memref<8192xi32, #tpu.memory_space<vmem>>) semaphore(%run_scoped3A : memref<!tpu.dma_semaphore, #tpu.memory_space<semaphore_mem>>) {add = true}
      %dma_wait3A_128 = arith.constant 0 : i32
      %dma_wait3A_129 = tpu.memref_slice %arg11[%dma_wait3A_128] : memref<1048576xf32, #tpu.memory_space<vmem_shared>> -> memref<1048576xf32, #tpu.memory_space<vmem_shared>>
      tpu.wait_indirect_dma semaphore(%run_scoped3A : memref<!tpu.dma_semaphore, #tpu.memory_space<semaphore_mem>>) src(%arg10 : memref<8192xf32, #tpu.memory_space<vmem>>) dst(%dma_wait3A_129 : memref<1048576xf32, #tpu.memory_space<vmem_shared>>)
      tpu.yield
    }) : () -> ()
    %barrier3A_124 = arith.constant 0 : index
    tpu.barrier barrier_id(%barrier3A_124)
    %add3A_125 = arith.addi %mul3A_0, %mul3A_2 : i32
    "tpu.region"() ({
      %run_scoped3A = tpu.sem_alloc : memref<!tpu.dma_semaphore, #tpu.memory_space<semaphore_mem>>
      %dma_start3A_126 = tpu.memref_slice %arg3[%add3A_125] : memref<2097152xf32, #tpu.memory_space<hbm>> -> memref<65536xf32, #tpu.memory_space<hbm>>
      %dma_start3A_127 = tpu.memref_slice %arg11[%mul3A_2] : memref<1048576xf32, #tpu.memory_space<vmem_shared>> -> memref<65536xf32, #tpu.memory_space<vmem_shared>>
      tpu.enqueue_dma source(%dma_start3A_127 : memref<65536xf32, #tpu.memory_space<vmem_shared>>) target(%dma_start3A_126 : memref<65536xf32, #tpu.memory_space<hbm>>) target_semaphore(%run_scoped3A : memref<!tpu.dma_semaphore, #tpu.memory_space<semaphore_mem>>)
      %dma_wait3A_128 = tpu.memref_slice %arg3[%add3A_125] : memref<2097152xf32, #tpu.memory_space<hbm>> -> memref<65536xf32, #tpu.memory_space<hbm>>
      %dma_wait3A_129 = tpu.memref_slice %arg11[%mul3A_2] : memref<1048576xf32, #tpu.memory_space<vmem_shared>> -> memref<65536xf32, #tpu.memory_space<vmem_shared>>
      tpu.wait_dma2 semaphore(%run_scoped3A : memref<!tpu.dma_semaphore, #tpu.memory_space<semaphore_mem>>) src(%dma_wait3A_129 : memref<65536xf32, #tpu.memory_space<vmem_shared>>) dst(%dma_wait3A_128 : memref<65536xf32, #tpu.memory_space<hbm>>)
      tpu.yield
    }) : () -> ()
    return
  }
}

</mosaic_0001>

<sc_bundles>
// kernel: _sc_histogram.3.cloned.1.call-start
scs
__scs_entry_jumppad:
0x0: {  	(pc) =	sbr.rel $0x88, $3  }
0x1: {  	(tag) =	ssettag $0x0;
	lr =	simm.s32 $0x1  }
0x2: {  	[smem:$0x3FA0] =	sst lr;
	_ =	strace $0xD0000000  }
0x3: {  	_ = 	snop  }
0x4: {  	_ = 	snop  }
0x5: {  	_ = 	snop  }
0x6: {  	_ = 	snop  }
0x7: {  	_ = 	snop  }
__scs_overlays_trampoline_lowered:
0x8: {  	[smem:$0x3FAF] =	sst s0  }
0x9: {  	[smem:$0x3FB0] =	sst s1  }
0xa: {  	[smem:$0x3FB1] =	sst s2  }
0xb: {  	[smem:$0x3FB2] =	sst s3  }
0xc: {  	[smem:$0x3FB3] =	sst s4  }
0xd: {  	[smem:$0x3FB4] =	sst s5  }
0xe: {  	[smem:$0x3FB5] =	sst s6  }
0xf: {  	[smem:$0x3FB6] =	sst s7  }
0x10: {  	[smem:$0x3FB7] =	sst s8  }
0x11: {  	[smem:$0x3FB8] =	sst s9;
	s0 =	simm.s32 @!p0 $0x0  }
0x12: {  	s1 =	sld [smem:$0x3F9E];
	s0 =	simm.s32 @p0 $0x1  }
0x13: {  	[smem:$0x3FB9] =	sst s0;
	s0 =	simm.s32 @!p1 $0x0  }
0x14: {  	s2 =	sld [smem:$0x3F9D];
	s0 =	simm.s32 @p1 $0x1  }
0x15: {  	[smem:$0x3FBA] =	sst s0;
	s0 =	simm.s32 @!p2 $0x0  }
0x16: {  	s3 =	sld [smem:$0x3FDB];
	s0 =	simm.s32 @p2 $0x1  }
0x17: {  	s4 =	simm.s32 $0x1BF5;
	[smem:$0x3FBC] =	sst s0  }
0x18: {  	s0 =	sld [smem:$0x3F9F];
	_ =	swait.ge [sflag:s4], $0x0  }
0x19: {  	s7 =	sld [smem:$0x3FA0]  }
0x1a: {  	s8 =	sadd.s32 $0xFFFFE003, lr  }
0x1b: {  	s9 =	sadd.s32 $0xFFFFFEF7, lr;
	s5 =	simm.s32 $0xFFFFFFFF;
	p2 =	slt.u32 s8, $0xFFFFF086  }
0x1c: {  	p1 =	slt.u32 s9, $0xF7A;
	s5 =	simm.s32 @!p2 $0x0  }
0x1d: {  	s5 =	simm.s32 @p1 $0x1;
	p0 =	seq.s32 s7, s2  }
0x1e: {  	s7 =	smul.u32 @!p0 $0xF7A, s2;
	p2 =	seq.s32 @!p0 s5, $0x0  }
0x1f: {  	s9 =	smul.u32 $0xF7A, s1;
	s8 =	simm.s32 @!p0 $0x1BF5;
	p2 =	por !p2, p0  }
0x20: {  	[sflag:s8] =	ssyncset.s32 @!p0 $0xFFFFF086;
	s6 =	sadd.s32 @!p0 s3, s7;
	s7 =	simm.s32 @!p0 $0x108  }
0x21: {  	s3 =	sadd.s32 s3, s9;
	s6 =	sadd.s32 @!p0 $0x88, s6;
	s7 =	simm.s32 @p2 $0x1082  }
0x22: {  	[simem:s7], [sflag:s8] =	dma.local @!p0 [hbm:s6], $0xF7A  }
0x23: {  	s9 =	sor.u32 $0xD0000000, s2;
	s6 =	simm.s32 $0x108;
	_ =	swait.ge @!p0 [sflag:s8], $0x0  }
0x24: {  	s3 =	sadd.s32 $0x88, s3;
	s6 =	simm.s32 @!p1 $0x1082;
	[sflag:s4] =	ssyncset.s32 $0xFFFFF086  }
0x25: {  	[simem:s6], [sflag:s4] =	dma.local [hbm:s3], $0xF7A  }
0x26: {  	[smem:$0x3FA0] =	sst s1;
	(tag) =	ssettag s2;
	_ =	strace s9  }
0x27: {  	s1 =	sld [smem:$0x3FB0]  }
0x28: {  	s2 =	sld [smem:$0x3FB1]  }
0x29: {  	s4 =	sld [smem:$0x3FB3]  }
0x2a: {  	p0 =	seq.s32 s5, $0x0;
	s5 =	sld [smem:$0x3FB4]  }
0x2b: {  	s6 =	sld [smem:$0x3FB5]  }
0x2c: {  	s7 =	sld [smem:$0x3FB6]  }
0x2d: {  	s3 =	simm.s32 $0x108;
	s8 =	sld [smem:$0x3FB7]  }
0x2e: {  	s3 =	simm.s32 @!p0 $0x1082;
	s9 =	sld [smem:$0x3FB8]  }
0x2f: {  	lr =	sadd.s32 s0, s3;
	s0 =	sld [smem:$0x3FAF]  }
0x30: {  	s3 =	sld [smem:$0x3FB2]  }
0x31: {  	[smem:$0x3FBB] =	sst s10  }
0x32: {  	s10 =	sld [smem:$0x3FB9];
	_ =	sdelay $0x3  }
0x33: {  	p0 =	seq.s32 s10, $0x1;
	s10 =	sld [smem:$0x3FBB];
	_ =	sdelay $0x3  }
0x34: {  	[smem:$0x3FBB] =	sst s10  }
0x35: {  	s10 =	sld [smem:$0x3FBA];
	_ =	sdelay $0x3  }
0x36: {  	p1 =	seq.s32 s10, $0x1;
	s10 =	sld [smem:$0x3FBB];
	_ =	sdelay $0x3  }
0x37: {  	[smem:$0x3FBB] =	sst s10  }
0x38: {  	s10 =	sld [smem:$0x3FBC]  }
0x39: {  	_ = 	snop;
	(pc) =	sbr.ind lr, $3  }
0x3a: {  	_ = 	snop  }
0x3b: {  	_ = 	snop  }
0x3c: {  	p2 =	seq.s32 s10, $0x1;
	s10 =	sld [smem:$0x3FBB]  }
0x3d: {  	_ =	shalt  }
0x3e: {  	_ =	shalt  }
0x3f: {  	_ =	shalt  }
0x40: {  	_ =	shalt  }
0x41: {  	_ =	shalt  }
0x42: {  	_ =	shalt  }
0x43: {  	_ =	shalt  }
0x44: {  	_ =	shalt  }
0x45: {  	_ =	shalt  }
0x46: {  	_ =	shalt  }
0x47: {  	_ =	shalt  }
0x48: {  	_ =	shalt  }
0x49: {  	_ =	shalt  }
0x4a: {  	_ =	shalt  }
0x4b: {  	_ =	shalt  }
0x4c: {  	_ =	shalt  }
0x4d: {  	_ =	shalt  }
0x4e: {  	_ =	shalt  }
0x4f: {  	_ =	shalt  }
0x50: {  	_ =	shalt  }
0x51: {  	_ =	shalt  }
0x52: {  	_ =	shalt  }
0x53: {  	_ =	shalt  }
0x54: {  	_ =	shalt  }
0x55: {  	_ =	shalt  }
0x56: {  	_ =	shalt  }
0x57: {  	_ =	shalt  }
0x58: {  	_ =	shalt  }
0x59: {  	_ =	shalt  }
0x5a: {  	_ =	shalt  }
0x5b: {  	_ =	shalt  }
0x5c: {  	_ =	shalt  }
0x5d: {  	_ =	shalt  }
0x5e: {  	_ =	shalt  }
0x5f: {  	_ =	shalt  }
0x60: {  	_ =	shalt  }
0x61: {  	_ =	shalt  }
0x62: {  	_ =	shalt  }
0x63: {  	_ =	shalt  }
0x64: {  	_ =	shalt  }
0x65: {  	_ =	shalt  }
0x66: {  	_ =	shalt  }
0x67: {  	_ =	shalt  }
0x68: {  	_ =	shalt  }
0x69: {  	_ =	shalt  }
0x6a: {  	_ =	shalt  }
0x6b: {  	_ =	shalt  }
0x6c: {  	_ =	shalt  }
0x6d: {  	_ =	shalt  }
0x6e: {  	_ =	shalt  }
0x6f: {  	_ =	shalt  }
0x70: {  	_ =	shalt  }
0x71: {  	_ =	shalt  }
0x72: {  	_ =	shalt  }
0x73: {  	_ =	shalt  }
0x74: {  	_ =	shalt  }
0x75: {  	_ =	shalt  }
0x76: {  	_ =	shalt  }
0x77: {  	_ =	shalt  }
0x78: {  	_ =	shalt  }
0x79: {  	_ =	shalt  }
0x7a: {  	_ =	shalt  }
0x7b: {  	_ =	shalt  }
0x7c: {  	_ =	shalt  }
0x7d: {  	_ =	shalt  }
0x7e: {  	_ =	shalt  }
0x7f: {  	_ =	shalt  }
0x80: {  	_ =	shalt  }
0x81: {  	_ =	shalt  }
0x82: {  	_ =	shalt  }
0x83: {  	_ =	shalt  }
0x84: {  	_ =	shalt  }
0x85: {  	_ =	shalt  }
0x86: {  	_ =	shalt  }
0x87: {  	_ =	shalt  }
.Lfunc_end0:
.L_simem_size_0:
called_computation_lowered:
.L_overlay_start_0:
0x88: {  	s2 =	sld [smem:$0x3FD9]  }
0x89: {  	s3 =	sld [smem:$0x3FFE];
	_ =	sdelay $0x1  }
0x8a: {  	s1 =	srdreg.scid  }
0x8b: {  	s0 =	sand.u32 $0x1, s1  }
0x8c: {  	s18 =	sshll.u32 s0, $0xA;
	s2 =	sadd.s32 s3, s2  }
0x8d: {  	s2 =	sadd.s32 s2, s18  }
0x8e: {  	[smem:$0x3FC7] =	sst s2  }
0x8f: {  	_ = 	snop  }
0x90: {  	s2 =	sld [smem:$0x3FC9]  }
0x91: {  	s19 =	sld [smem:$0x3FD0];
	(tm) =	ssettm $0x1  }
0x92: {  	s4 =	sld [smem:$0x3FFB];
	_ =	sdelay $0x3  }
0x93: {  	_ =	strace s4  }
0x94: {  	s4 =	sld [smem:$0x3FFC];
	_ =	sdelay $0x3  }
0x95: {  	_ =	strace s4  }
0x96: {  	s4 =	sld [smem:$0x3FFD];
	_ =	sdelay $0x3  }
0x97: {  	_ =	strace s4  }
0x98: {  	_ =	strace $0x8FFFFFFF  }
0x99: {  	s20 =	sld [smem:$0x3FDB];
	_ =	sdelay $0x1  }
0x9a: {  	s5 =	simm.s32 $_scs_section_size  }
0x9b: {  	s6 =	simm.s32 $_size__tile_overlayer_lowered;
	s7 =	simm.s32 $_tile_overlayer_lowered  }
0x9c: {  	s23 =	simm.s32 $0x1BFF;
	s22 =	sshll.u32 s7, $0x1;
	s4 =	sadd.s32 s5, s20  }
0x9d: {  	s8 =	simm.s32 $0x0;
	s21 =	sshll.u32 s6, $0x1;
	s6 =	sadd.s32 s22, s4  }
0x9e: {  	[timem:s8], [sflag:s23] =	dma.local [hbm:s6], s21  }
0x9f: {  	_ =	swait.ge [sflag:s23], s21  }
0xa0: {  	s5 =	ssub.s32 $0x0, s21;
	[sflag:s23] =	ssyncset.done $0x0  }
0xa1: {  	[sflag:s23] =	ssyncadd.s32 s5;
	_ =	sdelay $0x1  }
0xa2: {  	s24 =	simm.s32 $0x1B8B  }
0xa3: {  	_ =	swait.ge [sflag:s24], $0x1  }
0xa4: {  	[sflag:s24] =	ssyncset.done $0x0  }
0xa5: {  	s25 =	simm.s32 $0x1B8E;
	[sflag:s24] =	ssyncadd.s32 $0xFFFFFFFF  }
0xa6: {  	s26 =	simm.s32 $execute0_lowered;
	[smem:$0x3FD2] =	sst s25  }
0xa7: {  	s5 =	sshll.u32 s26, $0x1;
	_ =	strace $0x80000046;
	[dreg:$0x1] =	wrdreg $0xFFFFFFFF  }
0xa8: {  	s28 =	simm.s32 $_size_execute0_lowered;
	s4 =	sadd.s32 s4, s5;
	[dreg:$0x0] =	wrdreg $0x0  }
0xa9: {  	s5 =	sshll.u32 s28, $0x1;
	[dreg:$0x2] =	wrdreg s4  }
0xaa: {  	[dreg:$0x3] =	wrdreg s5  }
0xab: {  	[dreg:$0x4] =	wrdreg $0xC0  }
0xac: {  	_ =	task [dreg:s8], $0x5FFFF  }
0xad: {  	[dreg:$0x1] =	wrdreg $0xFFFFFFFF  }
0xae: {  	[dreg:$0x0] =	wrdreg $0x60  }
0xaf: {  	[dreg:$0x2] =	wrdreg s2  }
0xb0: {  	[dreg:$0x3] =	wrdreg s19  }
0xb1: {  	[dreg:$0x4] =	wrdreg $0xE0000  }
0xb2: {  	[dreg:$0x5] =	wrdreg $0x9  }
0xb3: {  	_ =	task.clear_ibuf [dreg:s8], $0x6FFFF;
	_ =	strace $0x90000046  }
0xb4: {  	s29 =	simm.s32 $0x9;
	_ =	strace $0x80000048  }
0xb5: {  	_ =	swait.ge [sflag:s29], $0x1  }
0xb6: {  	[sflag:s29] =	ssyncadd.s32 $0xFFFFFFFF  }
0xb7: {  	_ =	strace $0x90000048  }
0xb8: {  	_ =	sfence  }
0xb9: {  	s30 =	sld [smem:$0x0];
	_ =	sdelay $0x2  }
0xba: {  	s31 =	sshll.u32 s1, $0xD;
	s1 =	sshrl.u32 s1, $0x2  }
0xbb: {  	s3 =	sand.u32 $0x4000, s31;
	s1 =	sadd.s32 s1, s30  }
0xbc: {  	s0 =	sor.u32 s3, s0;
	s1 =	sshll.u32 s1, $0x11  }
0xbd: {  	s0 =	sor.u32 s1, s0  }
0xbe: {  	s0 =	sadd.s32 $0x8F2B, s0  }
0xbf: {  	[sflag:s0] =	ssyncadd.remote.s32 $0x1  }
0xc0: {  	_ =	sfence.sel $0xFFFF  }
0xc1: {  	[dreg:$0x0] =	wrdreg $0xFFFFFFFF;
	(pc) =	sbr.abs _section_cstart, $3  }
0xc2: {  	[dreg:$0x1] =	wrdreg $0xFFFFFFFF  }
0xc3: {  	_ =	task.clear_ibuf [dreg:s8], $0x2FFFF;
	_ =	strace $0x9FFFFFFF  }
0xc4: {  	(tm) =	ssettm $0x7FFFFFFF  }
0xc5: {  	_ =	shalt  }
tec
execute0_lowered:
.L_overlay_start_1:
0x0: {  	(tag) =	ssettag $0x1  }
0x1: {  	s0 =	rddreg [dreg:$0x0]  }
0x2: {  	s2 =	rddreg [dreg:$0x1]  }
0x3: {  	s1 =	rddreg [dreg:$0x2];
	s3 =	srdreg.scid;
	s4 =	simm.s32 $0x0  }
0x4: {  	s6 =	stileid.u32;
	s18 =	simm.s32 $0x2000;
	s19 =	simm.s32 $0xC000  }
0x5: {  	s20 =	simm.s32 $0x5;
	s21 =	simm.s32 $0x1;
	s22 =	simm.s32 $0x4000  }
0x6: {  	s23 =	simm.s32 $0x8000;
	s28 =	simm.s32 $0x3;
	s29 =	simm.s32 $0x4  }
0x7: {  	s30 =	simm.s32 $0x6;
	s31 =	simm.s32 $0x0;
	s3 =	sand.u32 $0x1, s3  }
0x8: {  	[smem:$0x7FF] =	sst s4;
	s14 =	sshll.u32 s6, $0x10;
	s25 =	sshll.u32 s6, $0xC  }
0x9: {  	s24 =	ssub.s32 $0x2, s3;
	_ =	strace $0x80000047;
	s3 =	sshll.u32 s3, $0x14  }
0xa: {  	s4 =	sadd.s32 s0, s25;
	s25 =	simm.s32 $0x6000;
	s5 =	sshrl.u32 s24, $0x1  }
0xb: {  	s6 =	sadd.s32 $0x400, s4;
	s26 =	sor.u32 s14, s3;
	s15 =	sadd.s32 $0xC00, s4  }
0xc: {  	s17 =	ssub.s32 s24, s5;
	s5 =	sadd.s32 s14, s1;
	s14 =	sadd.s32 $0x800, s4  }
0xd: {  	s0 =	sshrl.u32 s26, $0x3;
	s24 =	simm.s32 $0x2;
	s26 =	simm.s32 $0xA000  }
0xe: {  	s7 =	sadd.s32 $0x2000, s5;
	s8 =	sadd.s32 $0x4000, s5;
	s9 =	sadd.s32 $0x6000, s5  }
0xf: {  	s10 =	sadd.s32 $0x8000, s5;
	s11 =	sadd.s32 $0xA000, s5;
	s12 =	sadd.s32 $0xC000, s5  }
0x10: {  	v1 =	vimm.f32 $0.0e+00;
	v0 =	vmov s3;
	s13 =	sadd.s32 $0xE000, s5;
	s16 =	sadd.s32 s2, s0;
	s17 =	smax.u32 s17, $0x1  }
.LBB2_1:
0x11: {  	s0 =	simm.s32 $0x0  }
0x12: {  	[tilespmem:s0], [sflag:$0x1] =	stream.linear.gather [hbm4b:s4+s0], $0x2000, $0x38;
	[tilespmem:$0x1E000] =	vst v63  }
0x13: {  	_ = 	snop  }
0x14: {  	[tilespmem:s18], [sflag:$0x2] =	stream.linear.gather [hbm4b:s6+s0], $0x2000, $0x38;
	[tilespmem:$0x1E000] =	vst v63  }
0x15: {  	s2 =	simm.s32 $0x0;
	s0 =	simm.s32 $0x40  }
.LBB2_2:
0x16: {  	p0 =	sne.s32 s0, $0x7FC0;
	[tilespmem:s2+$0xC000] =	vst v1;
	s2 =	smov.u32 s0;
	s0 =	sadd.s32 $0x40, s0  }
.Ltmp0:
0x17: {  	(pc) =	sbr.rel @p0 .LBB2_2-.Ltmp0, $2  }
0x18: {  	_ =	sdelay $0x2  }
0x19: {  	s2 =	sshra.s32 s2, $0x2  }
0x1a: {  	[tilespmem:s2+$0xC000] =	vst v1  }
0x1b: {  	[spmem:s5] =	stream.linear.scatter [tilespmem:s19], [sflag:$0x5], $0x2000, $0x38;
	[tilespmem:$0x1E000] =	vst v63  }
0x1c: {  	_ = 	snop  }
0x1d: {  	[spmem:s7] =	stream.linear.scatter [tilespmem:s19], [sflag:$0x5], $0x2000, $0x38;
	[tilespmem:$0x1E000] =	vst v63  }
0x1e: {  	_ = 	snop  }
0x1f: {  	[spmem:s8] =	stream.linear.scatter [tilespmem:s19], [sflag:$0x5], $0x2000, $0x38;
	[tilespmem:$0x1E000] =	vst v63  }
0x20: {  	_ = 	snop  }
0x21: {  	[spmem:s9] =	stream.linear.scatter [tilespmem:s19], [sflag:$0x5], $0x2000, $0x38;
	[tilespmem:$0x1E000] =	vst v63  }
0x22: {  	_ = 	snop  }
0x23: {  	[spmem:s10] =	stream.linear.scatter [tilespmem:s19], [sflag:$0x5], $0x2000, $0x38;
	[tilespmem:$0x1E000] =	vst v63  }
0x24: {  	_ = 	snop  }
0x25: {  	[spmem:s11] =	stream.linear.scatter [tilespmem:s19], [sflag:$0x5], $0x2000, $0x38;
	[tilespmem:$0x1E000] =	vst v63  }
0x26: {  	_ = 	snop  }
0x27: {  	[spmem:s12] =	stream.linear.scatter [tilespmem:s19], [sflag:$0x5], $0x2000, $0x38;
	[tilespmem:$0x1E000] =	vst v63  }
0x28: {  	_ = 	snop  }
0x29: {  	[spmem:s13] =	stream.linear.scatter [tilespmem:s19], [sflag:$0x5], $0x2000, $0x38;
	[tilespmem:$0x1E000] =	vst v63  }
0x2a: {  	_ =	swait.ge [sflag:s20], $0x2000  }
0x2b: {  	[sflag:s20] =	ssyncset.done $0x0  }
0x2c: {  	[sflag:s20] =	ssyncadd.s32 $0xFFFFE000  }
0x2d: {  	_ =	swait.ge [sflag:s20], $0x2000  }
0x2e: {  	[sflag:s20] =	ssyncset.done $0x0  }
0x2f: {  	[sflag:s20] =	ssyncadd.s32 $0xFFFFE000  }
0x30: {  	_ =	swait.ge [sflag:s20], $0x2000  }
0x31: {  	[sflag:s20] =	ssyncset.done $0x0  }
0x32: {  	[sflag:s20] =	ssyncadd.s32 $0xFFFFE000  }
0x33: {  	_ =	swait.ge [sflag:s20], $0x2000  }
0x34: {  	[sflag:s20] =	ssyncset.done $0x0  }
0x35: {  	[sflag:s20] =	ssyncadd.s32 $0xFFFFE000  }
0x36: {  	_ =	swait.ge [sflag:s20], $0x2000  }
0x37: {  	[sflag:s20] =	ssyncset.done $0x0  }
0x38: {  	[sflag:s20] =	ssyncadd.s32 $0xFFFFE000  }
0x39: {  	_ =	swait.ge [sflag:s20], $0x2000  }
0x3a: {  	[sflag:s20] =	ssyncset.done $0x0  }
0x3b: {  	[sflag:s20] =	ssyncadd.s32 $0xFFFFE000  }
0x3c: {  	_ =	swait.ge [sflag:s20], $0x2000  }
0x3d: {  	[sflag:s20] =	ssyncset.done $0x0  }
0x3e: {  	[sflag:s20] =	ssyncadd.s32 $0xFFFFE000  }
0x3f: {  	_ =	swait.ge [sflag:s20], $0x2000  }
0x40: {  	[sflag:s20] =	ssyncset.done $0x0  }
0x41: {  	[sflag:s20] =	ssyncadd.s32 $0xFFFFE000  }
0x42: {  	[bflag:$0x0] =	sbarrier.arrive $0xFFFF  }
0x43: {  	_ =	swait.ge [sflag:s21], $0x2000  }
0x44: {  	[sflag:s21] =	ssyncset.done $0x0  }
0x45: {  	s3 =	simm.s32 $0x0;
	[sflag:s21] =	ssyncadd.s32 $0xFFFFE000  }
0x46: {  	v4 =	vld [tilespmem:s3+$0x30]  }
0x47: {  	v5 =	vld [tilespmem:s3+$0x0]  }
0x48: {  	v3 =	vld [tilespmem:s3+$0x10]  }
0x49: {  	v2 =	vld [tilespmem:s3+$0x20];
	_ =	sdelay $0x1  }
0x4a: {  	v6 =	vsub.s32 v4, v0;
	v4 =	vand.u32 $0xFFFFF, v4  }
0x4b: {  	v7 =	vsub.s32 v5, v0;
	v5 =	vand.u32 $0xFFFFF, v5;
	vm1 =	vlt.u32 v6, $0x100000;
	[tilespmem:s3+$0x4030] =	vst v4  }
0x4c: {  	s0 =	simm.s32 $0x40;
	s2 =	simm.s32 $0x200;
	vm0 =	vlt.u32 v7, $0x100000;
	[tilespmem:s3+$0x4000] =	vst v5;
	v4 =	vsub.s32 v3, v0;
	v5 =	vsel vm1, $0x3F800000, v1  }
.LBB2_4:
0x4d: {  	p0 =	sne.s32 s2, $0x7F00;
	v6 =	vld [tilespmem:s0+$0x30];
	v7 =	vsel vm0, $0x3F800000, v1;
	vm0 =	vlt.u32 v4, $0x100000;
	v4 =	vsub.s32 v2, v0;
	[tilespmem:s3+$0x8030] =	vst v5  }
0x4e: {  	v5 =	vld [tilespmem:s0+$0x0];
	[tilespmem:s3+$0x8000] =	vst v7;
	v7 =	vand.u32 $0xFFFFF, v3;
	v8 =	vsel vm0, $0x3F800000, v1;
	vm0 =	vlt.u32 v4, $0x100000  }
0x4f: {  	v4 =	vand.u32 $0xFFFFF, v2;
	v3 =	vld [tilespmem:s0+$0x10];
	[tilespmem:s3+$0x8010] =	vst v8;
	v8 =	vsel vm0, $0x3F800000, v1  }
.Ltmp1:
0x50: {  	v2 =	vld [tilespmem:s0+$0x20];
	[tilespmem:s3+$0x8020] =	vst v8;
	(pc) =	sbr.rel @p0 .LBB2_4-.Ltmp1, $4  }
0x51: {  	[tilespmem:s3+$0x4010] =	vst v7  }
0x52: {  	v7 =	vsub.s32 v6, v0;
	v6 =	vand.u32 $0xFFFFF, v6;
	[tilespmem:s3+$0x4020] =	vst v4;
	s3 =	smov.u32 s0  }
0x53: {  	v4 =	vsub.s32 v5, v0;
	v5 =	vand.u32 $0xFFFFF, v5;
	vm1 =	vlt.u32 v7, $0x100000;
	[tilespmem:s3+$0x4030] =	vst v6  }
0x54: {  	s0 =	sshra.s32 s2, $0x2;
	s2 =	sadd.s32 $0x100, s2;
	vm0 =	vlt.u32 v4, $0x100000;
	[tilespmem:s3+$0x4000] =	vst v5;
	v4 =	vsub.s32 v3, v0;
	v5 =	vsel vm1, $0x3F800000, v1  }
0x55: {  	v6 =	vld [tilespmem:s0+$0x30];
	[tilespmem:s3+$0x8030] =	vst v5;
	v5 =	vsel vm0, $0x3F800000, v1;
	vm0 =	vlt.u32 v4, $0x100000;
	v4 =	vsub.s32 v2, v0  }
0x56: {  	v7 =	vld [tilespmem:s0+$0x0];
	[tilespmem:s3+$0x8000] =	vst v5;
	v5 =	vsel vm0, $0x3F800000, v1;
	vm0 =	vlt.u32 v4, $0x100000  }
0x57: {  	v8 =	vld [tilespmem:s0+$0x10];
	[tilespmem:s3+$0x8010] =	vst v5;
	v4 =	vsel vm0, $0x3F800000, v1  }
0x58: {  	v3 =	vand.u32 $0xFFFFF, v3;
	v5 =	vld [tilespmem:s0+$0x20];
	[tilespmem:s3+$0x8020] =	vst v4  }
0x59: {  	v2 =	vand.u32 $0xFFFFF, v2;
	[tilespmem:s3+$0x4010] =	vst v3  }
0x5a: {  	[tilespmem:s3+$0x4020] =	vst v2;
	v3 =	vsub.s32 v6, v0;
	v4 =	vand.u32 $0xFFFFF, v6  }
0x5b: {  	v2 =	vsub.s32 v7, v0;
	v6 =	vand.u32 $0xFFFFF, v7;
	vm0 =	vlt.u32 v3, $0x100000;
	[tilespmem:s0+$0x4030] =	vst v4  }
0x5c: {  	vm1 =	vlt.u32 v2, $0x100000;
	[tilespmem:s0+$0x4000] =	vst v6;
	v2 =	vsub.s32 v8, v0;
	v3 =	vsel vm0, $0x3F800000, v1  }
0x5d: {  	v4 =	vsel vm1, $0x3F800000, v1;
	vm0 =	vlt.u32 v2, $0x100000;
	v2 =	vsub.s32 v5, v0;
	[tilespmem:s0+$0x8030] =	vst v3  }
0x5e: {  	[tilespmem:s0+$0x8000] =	vst v4;
	v3 =	vsel vm0, $0x3F800000, v1;
	vm0 =	vlt.u32 v2, $0x100000  }
0x5f: {  	[tilespmem:s0+$0x8010] =	vst v3;
	v2 =	vsel vm0, $0x3F800000, v1  }
0x60: {  	v3 =	vand.u32 $0xFFFFF, v8;
	[tilespmem:s0+$0x8020] =	vst v2  }
0x61: {  	v2 =	vand.u32 $0xFFFFF, v5;
	[tilespmem:s0+$0x4010] =	vst v3  }
0x62: {  	s3 =	simm.s32 $0x0;
	[tilespmem:s0+$0x4020] =	vst v2  }
0x63: {  	[tilespmem:s3], [sflag:$0x1] =	stream.linear.gather [hbm4b:s14+s3], $0x2000, $0x38;
	[tilespmem:$0x1E000] =	vst v63  }
0x64: {  	_ = 	snop  }
0x65: {  	[spmem:s1] =	stream.indirect.scatter.add.f32 [tilespmem:s23], [sflag:$0x3], $0x1, s22, s18, $0xb8;
	[tilespmem:$0x1E000] =	vst v63  }
0x66: {  	_ =	swait.ge [sflag:s24], $0x2000  }
0x67: {  	[sflag:s24] =	ssyncset.done $0x0  }
0x68: {  	s3 =	simm.s32 $0x0;
	[sflag:s24] =	ssyncadd.s32 $0xFFFFE000  }
0x69: {  	v4 =	vld [tilespmem:s3+$0x2030]  }
0x6a: {  	v5 =	vld [tilespmem:s3+$0x2000]  }
0x6b: {  	v3 =	vld [tilespmem:s3+$0x2010]  }
0x6c: {  	v2 =	vld [tilespmem:s3+$0x2020];
	_ =	sdelay $0x1  }
0x6d: {  	v6 =	vsub.s32 v4, v0;
	v4 =	vand.u32 $0xFFFFF, v4  }
0x6e: {  	v7 =	vsub.s32 v5, v0;
	v5 =	vand.u32 $0xFFFFF, v5;
	vm1 =	vlt.u32 v6, $0x100000;
	[tilespmem:s3+$0x6030] =	vst v4  }
0x6f: {  	s2 =	simm.s32 $0x200;
	s0 =	simm.s32 $0x40;
	vm0 =	vlt.u32 v7, $0x100000;
	[tilespmem:s3+$0x6000] =	vst v5;
	v4 =	vsub.s32 v3, v0;
	v5 =	vsel vm1, $0x3F800000, v1  }
.LBB2_6:
0x70: {  	p0 =	sne.s32 s2, $0x7F00;
	v6 =	vld [tilespmem:s0+$0x2030];
	v7 =	vsel vm0, $0x3F800000, v1;
	vm0 =	vlt.u32 v4, $0x100000;
	v4 =	vsub.s32 v2, v0;
	[tilespmem:s3+$0xA030] =	vst v5  }
0x71: {  	v5 =	vld [tilespmem:s0+$0x2000];
	[tilespmem:s3+$0xA000] =	vst v7;
	v7 =	vand.u32 $0xFFFFF, v3;
	v8 =	vsel vm0, $0x3F800000, v1;
	vm0 =	vlt.u32 v4, $0x100000  }
0x72: {  	v4 =	vand.u32 $0xFFFFF, v2;
	v3 =	vld [tilespmem:s0+$0x2010];
	[tilespmem:s3+$0xA010] =	vst v8;
	v8 =	vsel vm0, $0x3F800000, v1  }
.Ltmp2:
0x73: {  	v2 =	vld [tilespmem:s0+$0x2020];
	[tilespmem:s3+$0xA020] =	vst v8;
	(pc) =	sbr.rel @p0 .LBB2_6-.Ltmp2, $4  }
0x74: {  	[tilespmem:s3+$0x6010] =	vst v7  }
0x75: {  	v7 =	vsub.s32 v6, v0;
	v6 =	vand.u32 $0xFFFFF, v6;
	[tilespmem:s3+$0x6020] =	vst v4;
	s3 =	smov.u32 s0  }
0x76: {  	v4 =	vsub.s32 v5, v0;
	v5 =	vand.u32 $0xFFFFF, v5;
	vm1 =	vlt.u32 v7, $0x100000;
	[tilespmem:s3+$0x6030] =	vst v6  }
0x77: {  	s0 =	sshra.s32 s2, $0x2;
	s2 =	sadd.s32 $0x100, s2;
	vm0 =	vlt.u32 v4, $0x100000;
	[tilespmem:s3+$0x6000] =	vst v5;
	v4 =	vsub.s32 v3, v0;
	v5 =	vsel vm1, $0x3F800000, v1  }
0x78: {  	v6 =	vld [tilespmem:s0+$0x2030];
	[tilespmem:s3+$0xA030] =	vst v5;
	v5 =	vsel vm0, $0x3F800000, v1;
	vm0 =	vlt.u32 v4, $0x100000;
	v4 =	vsub.s32 v2, v0  }
0x79: {  	v7 =	vld [tilespmem:s0+$0x2000];
	[tilespmem:s3+$0xA000] =	vst v5;
	v5 =	vsel vm0, $0x3F800000, v1;
	vm0 =	vlt.u32 v4, $0x100000  }
0x7a: {  	v8 =	vld [tilespmem:s0+$0x2010];
	[tilespmem:s3+$0xA010] =	vst v5;
	v4 =	vsel vm0, $0x3F800000, v1  }
0x7b: {  	v3 =	vand.u32 $0xFFFFF, v3;
	v5 =	vld [tilespmem:s0+$0x2020];
	[tilespmem:s3+$0xA020] =	vst v4  }
0x7c: {  	v2 =	vand.u32 $0xFFFFF, v2;
	[tilespmem:s3+$0x6010] =	vst v3  }
0x7d: {  	[tilespmem:s3+$0x6020] =	vst v2;
	v3 =	vsub.s32 v6, v0;
	v4 =	vand.u32 $0xFFFFF, v6  }
0x7e: {  	v2 =	vsub.s32 v7, v0;
	v6 =	vand.u32 $0xFFFFF, v7;
	vm0 =	vlt.u32 v3, $0x100000;
	[tilespmem:s0+$0x6030] =	vst v4  }
0x7f: {  	vm1 =	vlt.u32 v2, $0x100000;
	[tilespmem:s0+$0x6000] =	vst v6;
	v2 =	vsub.s32 v8, v0;
	v3 =	vsel vm0, $0x3F800000, v1  }
0x80: {  	v4 =	vsel vm1, $0x3F800000, v1;
	vm0 =	vlt.u32 v2, $0x100000;
	v2 =	vsub.s32 v5, v0;
	[tilespmem:s0+$0xA030] =	vst v3  }
0x81: {  	[tilespmem:s0+$0xA000] =	vst v4;
	v3 =	vsel vm0, $0x3F800000, v1;
	vm0 =	vlt.u32 v2, $0x100000  }
0x82: {  	[tilespmem:s0+$0xA010] =	vst v3;
	v2 =	vsel vm0, $0x3F800000, v1  }
0x83: {  	v3 =	vand.u32 $0xFFFFF, v8;
	[tilespmem:s0+$0xA020] =	vst v2  }
0x84: {  	v2 =	vand.u32 $0xFFFFF, v5;
	[tilespmem:s0+$0x6010] =	vst v3  }
0x85: {  	s3 =	simm.s32 $0x0;
	[tilespmem:s0+$0x6020] =	vst v2  }
0x86: {  	[tilespmem:s18], [sflag:$0x2] =	stream.linear.gather [hbm4b:s15+s3], $0x2000, $0x38;
	[tilespmem:$0x1E000] =	vst v63  }
0x87: {  	_ = 	snop  }
0x88: {  	[spmem:s1] =	stream.indirect.scatter.add.f32 [tilespmem:s26], [sflag:$0x4], $0x1, s25, s18, $0xb8;
	[tilespmem:$0x1E000] =	vst v63  }
0x89: {  	_ =	swait.ge [sflag:s21], $0x2000  }
0x8a: {  	[sflag:s21] =	ssyncset.done $0x0  }
0x8b: {  	[sflag:s21] =	ssyncadd.s32 $0xFFFFE000  }
0x8c: {  	_ =	swait.ge [sflag:s28], $0x2000  }
0x8d: {  	[sflag:s28] =	ssyncset.done $0x0  }
0x8e: {  	s3 =	simm.s32 $0x0;
	[sflag:s28] =	ssyncadd.s32 $0xFFFFE000  }
0x8f: {  	v4 =	vld [tilespmem:s3+$0x30]  }
0x90: {  	v5 =	vld [tilespmem:s3+$0x0]  }
0x91: {  	v3 =	vld [tilespmem:s3+$0x10]  }
0x92: {  	v2 =	vld [tilespmem:s3+$0x20];
	_ =	sdelay $0x1  }
0x93: {  	v6 =	vsub.s32 v4, v0;
	v4 =	vand.u32 $0xFFFFF, v4  }
0x94: {  	v7 =	vsub.s32 v5, v0;
	v5 =	vand.u32 $0xFFFFF, v5;
	vm1 =	vlt.u32 v6, $0x100000;
	[tilespmem:s3+$0x4030] =	vst v4  }
0x95: {  	s2 =	simm.s32 $0x200;
	s0 =	simm.s32 $0x40;
	vm0 =	vlt.u32 v7, $0x100000;
	[tilespmem:s3+$0x4000] =	vst v5;
	v4 =	vsub.s32 v3, v0;
	v5 =	vsel vm1, $0x3F800000, v1  }
.LBB2_8:
0x96: {  	p0 =	sne.s32 s2, $0x7F00;
	v6 =	vld [tilespmem:s0+$0x30];
	v7 =	vsel vm0, $0x3F800000, v1;
	vm0 =	vlt.u32 v4, $0x100000;
	v4 =	vsub.s32 v2, v0;
	[tilespmem:s3+$0x8030] =	vst v5  }
0x97: {  	v5 =	vld [tilespmem:s0+$0x0];
	[tilespmem:s3+$0x8000] =	vst v7;
	v7 =	vand.u32 $0xFFFFF, v3;
	v8 =	vsel vm0, $0x3F800000, v1;
	vm0 =	vlt.u32 v4, $0x100000  }
0x98: {  	v4 =	vand.u32 $0xFFFFF, v2;
	v3 =	vld [tilespmem:s0+$0x10];
	[tilespmem:s3+$0x8010] =	vst v8;
	v8 =	vsel vm0, $0x3F800000, v1  }
.Ltmp3:
0x99: {  	v2 =	vld [tilespmem:s0+$0x20];
	[tilespmem:s3+$0x8020] =	vst v8;
	(pc) =	sbr.rel @p0 .LBB2_8-.Ltmp3, $4  }
0x9a: {  	[tilespmem:s3+$0x4010] =	vst v7  }
0x9b: {  	v7 =	vsub.s32 v6, v0;
	v6 =	vand.u32 $0xFFFFF, v6;
	[tilespmem:s3+$0x4020] =	vst v4;
	s3 =	smov.u32 s0  }
0x9c: {  	v4 =	vsub.s32 v5, v0;
	v5 =	vand.u32 $0xFFFFF, v5;
	vm1 =	vlt.u32 v7, $0x100000;
	[tilespmem:s3+$0x4030] =	vst v6  }
0x9d: {  	s0 =	sshra.s32 s2, $0x2;
	s2 =	sadd.s32 $0x100, s2;
	vm0 =	vlt.u32 v4, $0x100000;
	[tilespmem:s3+$0x4000] =	vst v5;
	v4 =	vsub.s32 v3, v0;
	v5 =	vsel vm1, $0x3F800000, v1  }
0x9e: {  	v6 =	vld [tilespmem:s0+$0x30];
	[tilespmem:s3+$0x8030] =	vst v5;
	v5 =	vsel vm0, $0x3F800000, v1;
	vm0 =	vlt.u32 v4, $0x100000;
	v4 =	vsub.s32 v2, v0  }
0x9f: {  	v7 =	vld [tilespmem:s0+$0x0];
	[tilespmem:s3+$0x8000] =	vst v5;
	v5 =	vsel vm0, $0x3F800000, v1;
	vm0 =	vlt.u32 v4, $0x100000  }
0xa0: {  	v8 =	vld [tilespmem:s0+$0x10];
	[tilespmem:s3+$0x8010] =	vst v5;
	v4 =	vsel vm0, $0x3F800000, v1  }
0xa1: {  	v3 =	vand.u32 $0xFFFFF, v3;
	v5 =	vld [tilespmem:s0+$0x20];
	[tilespmem:s3+$0x8020] =	vst v4  }
0xa2: {  	v2 =	vand.u32 $0xFFFFF, v2;
	[tilespmem:s3+$0x4010] =	vst v3  }
0xa3: {  	[tilespmem:s3+$0x4020] =	vst v2;
	v3 =	vsub.s32 v6, v0;
	v4 =	vand.u32 $0xFFFFF, v6  }
0xa4: {  	v2 =	vsub.s32 v7, v0;
	v6 =	vand.u32 $0xFFFFF, v7;
	vm0 =	vlt.u32 v3, $0x100000;
	[tilespmem:s0+$0x4030] =	vst v4  }
0xa5: {  	vm1 =	vlt.u32 v2, $0x100000;
	[tilespmem:s0+$0x4000] =	vst v6;
	v2 =	vsub.s32 v8, v0;
	v3 =	vsel vm0, $0x3F800000, v1  }
0xa6: {  	v4 =	vsel vm1, $0x3F800000, v1;
	vm0 =	vlt.u32 v2, $0x100000;
	v2 =	vsub.s32 v5, v0;
	[tilespmem:s0+$0x8030] =	vst v3  }
0xa7: {  	[tilespmem:s0+$0x8000] =	vst v4;
	v3 =	vsel vm0, $0x3F800000, v1;
	vm0 =	vlt.u32 v2, $0x100000  }
0xa8: {  	[tilespmem:s0+$0x8010] =	vst v3;
	v2 =	vsel vm0, $0x3F800000, v1  }
0xa9: {  	v3 =	vand.u32 $0xFFFFF, v8;
	[tilespmem:s0+$0x8020] =	vst v2  }
0xaa: {  	v2 =	vand.u32 $0xFFFFF, v5;
	[tilespmem:s0+$0x4010] =	vst v3  }
0xab: {  	[tilespmem:s0+$0x4020] =	vst v2  }
0xac: {  	[spmem:s1] =	stream.indirect.scatter.add.f32 [tilespmem:s23], [sflag:$0x3], $0x1, s22, s18, $0xb8;
	[tilespmem:$0x1E000] =	vst v63  }
0xad: {  	_ =	swait.ge [sflag:s24], $0x2000  }
0xae: {  	[sflag:s24] =	ssyncset.done $0x0  }
0xaf: {  	[sflag:s24] =	ssyncadd.s32 $0xFFFFE000  }
0xb0: {  	_ =	swait.ge [sflag:s29], $0x2000  }
0xb1: {  	[sflag:s29] =	ssyncset.done $0x0  }
0xb2: {  	s3 =	simm.s32 $0x0;
	[sflag:s29] =	ssyncadd.s32 $0xFFFFE000  }
0xb3: {  	v4 =	vld [tilespmem:s3+$0x2030]  }
0xb4: {  	v5 =	vld [tilespmem:s3+$0x2000]  }
0xb5: {  	v3 =	vld [tilespmem:s3+$0x2010]  }
0xb6: {  	v2 =	vld [tilespmem:s3+$0x2020];
	_ =	sdelay $0x1  }
0xb7: {  	v6 =	vsub.s32 v4, v0;
	v4 =	vand.u32 $0xFFFFF, v4  }
0xb8: {  	v7 =	vsub.s32 v5, v0;
	v5 =	vand.u32 $0xFFFFF, v5;
	vm1 =	vlt.u32 v6, $0x100000;
	[tilespmem:s3+$0x6030] =	vst v4  }
0xb9: {  	s2 =	simm.s32 $0x200;
	s0 =	simm.s32 $0x40;
	vm0 =	vlt.u32 v7, $0x100000;
	[tilespmem:s3+$0x6000] =	vst v5;
	v4 =	vsub.s32 v3, v0;
	v5 =	vsel vm1, $0x3F800000, v1  }
.LBB2_10:
0xba: {  	p0 =	sne.s32 s2, $0x7F00;
	v6 =	vld [tilespmem:s0+$0x2030];
	v7 =	vsel vm0, $0x3F800000, v1;
	vm0 =	vlt.u32 v4, $0x100000;
	v4 =	vsub.s32 v2, v0;
	[tilespmem:s3+$0xA030] =	vst v5  }
0xbb: {  	v5 =	vld [tilespmem:s0+$0x2000];
	[tilespmem:s3+$0xA000] =	vst v7;
	v7 =	vand.u32 $0xFFFFF, v3;
	v8 =	vsel vm0, $0x3F800000, v1;
	vm0 =	vlt.u32 v4, $0x100000  }
0xbc: {  	v4 =	vand.u32 $0xFFFFF, v2;
	v3 =	vld [tilespmem:s0+$0x2010];
	[tilespmem:s3+$0xA010] =	vst v8;
	v8 =	vsel vm0, $0x3F800000, v1  }
.Ltmp4:
0xbd: {  	v2 =	vld [tilespmem:s0+$0x2020];
	[tilespmem:s3+$0xA020] =	vst v8;
	(pc) =	sbr.rel @p0 .LBB2_10-.Ltmp4, $4  }
0xbe: {  	[tilespmem:s3+$0x6010] =	vst v7  }
0xbf: {  	v7 =	vsub.s32 v6, v0;
	v6 =	vand.u32 $0xFFFFF, v6;
	[tilespmem:s3+$0x6020] =	vst v4;
	s3 =	smov.u32 s0  }
0xc0: {  	v4 =	vsub.s32 v5, v0;
	v5 =	vand.u32 $0xFFFFF, v5;
	vm1 =	vlt.u32 v7, $0x100000;
	[tilespmem:s3+$0x6030] =	vst v6  }
0xc1: {  	s0 =	sshra.s32 s2, $0x2;
	s2 =	sadd.s32 $0x100, s2;
	vm0 =	vlt.u32 v4, $0x100000;
	[tilespmem:s3+$0x6000] =	vst v5;
	v4 =	vsub.s32 v3, v0;
	v5 =	vsel vm1, $0x3F800000, v1  }
0xc2: {  	v6 =	vld [tilespmem:s0+$0x2030];
	[tilespmem:s3+$0xA030] =	vst v5;
	v58 =	vsel vm0, $0x3F800000, v1;
	vm11 =	vlt.u32 v4, $0x100000;
	v59 =	vsub.s32 v2, v0  }
0xc3: {  	v7 =	vld [tilespmem:s0+$0x2000];
	[tilespmem:s3+$0xA000] =	vst v58;
	v60 =	vsel vm11, $0x3F800000, v1;
	vm12 =	vlt.u32 v59, $0x100000  }
0xc4: {  	v8 =	vld [tilespmem:s0+$0x2010];
	[tilespmem:s3+$0xA010] =	vst v60;
	v4 =	vsel vm12, $0x3F800000, v1  }
0xc5: {  	v3 =	vand.u32 $0xFFFFF, v3;
	v5 =	vld [tilespmem:s0+$0x2020];
	[tilespmem:s3+$0xA020] =	vst v4  }
0xc6: {  	v2 =	vand.u32 $0xFFFFF, v2;
	[tilespmem:s3+$0x6010] =	vst v3  }
0xc7: {  	[tilespmem:s3+$0x6020] =	vst v2;
	v3 =	vsub.s32 v6, v0;
	v61 =	vand.u32 $0xFFFFF, v6  }
0xc8: {  	v2 =	vsub.s32 v7, v0;
	v62 =	vand.u32 $0xFFFFF, v7;
	vm13 =	vlt.u32 v3, $0x100000;
	[tilespmem:s0+$0x6030] =	vst v61  }
0xc9: {  	vm1 =	vlt.u32 v2, $0x100000;
	[tilespmem:s0+$0x6000] =	vst v62;
	v2 =	vsub.s32 v8, v0;
	v3 =	vsel vm13, $0x3F800000, v1  }
0xca: {  	v63 =	vsel vm1, $0x3F800000, v1;
	vm14 =	vlt.u32 v2, $0x100000;
	v2 =	vsub.s32 v5, v0;
	[tilespmem:s0+$0xA030] =	vst v3  }
0xcb: {  	[tilespmem:s0+$0xA000] =	vst v63;
	v3 =	vsel vm14, $0x3F800000, v1;
	vm15 =	vlt.u32 v2, $0x100000  }
0xcc: {  	[tilespmem:s0+$0xA010] =	vst v3;
	v2 =	vsel vm15, $0x3F800000, v1  }
0xcd: {  	v3 =	vand.u32 $0xFFFFF, v8;
	[tilespmem:s0+$0xA020] =	vst v2  }
0xce: {  	v2 =	vand.u32 $0xFFFFF, v5;
	[tilespmem:s0+$0x6010] =	vst v3  }
0xcf: {  	[tilespmem:s0+$0x6020] =	vst v2  }
0xd0: {  	[spmem:s1] =	stream.indirect.scatter.add.f32 [tilespmem:s26], [sflag:$0x4], $0x1, s25, s18, $0xb8;
	[tilespmem:$0x1E000] =	vst v63  }
0xd1: {  	_ =	swait.ge [sflag:s28], $0x2000  }
0xd2: {  	[sflag:s28] =	ssyncset.done $0x0  }
0xd3: {  	[sflag:s28] =	ssyncadd.s32 $0xFFFFE000  }
0xd4: {  	_ =	swait.ge [sflag:s29], $0x2000  }
0xd5: {  	[sflag:s29] =	ssyncset.done $0x0  }
0xd6: {  	[sflag:s29] =	ssyncadd.s32 $0xFFFFE000  }
0xd7: {  	[spmem:s1] =	stream.indirect.scatter.add.f32 [tilespmem:s19], [sflag:$0x6], $0x1, s25, s18, $0xb8;
	[tilespmem:$0x1E000] =	vst v63  }
0xd8: {  	s2 =	sshrl.u32 s5, $0x3;
	_ =	swait.ge [sflag:s30], $0x2000  }
0xd9: {  	s31 =	sadd.s32 $0x1, s31;
	s3 =	stileid.u32;
	[sflag:s30] =	ssyncset.done $0x0  }
0xda: {  	p0 =	sne.s32 s31, s17;
	s0 =	sshll.u32 s3, $0x6;
	[sflag:s30] =	ssyncadd.s32 $0xFFFFE000  }
.Ltmp5:
0xdb: {  	s0 =	sor.u32 $0x1C06, s0;
	[bflag:$0x0] =	sbarrier.arrive $0xFFFF;
	(pc) =	sbr.rel @p0 .LBB2_1-.Ltmp5, $4  }
0xdc: {  	[hbm:s16], [sflag:s0] =	dma.local [spmem:s2], $0x2000  }
0xdd: {  	_ =	swait.ge [sflag:s30], $0x2000  }
0xde: {  	[sflag:s30] =	ssyncset.done $0x0  }
0xdf: {  	[sflag:s30] =	ssyncadd.s32 $0xFFFFE000  }
0xe0: {  	_ =	sfence.sel $0x180000  }
0xe1: {  	[bflag:$0x0] =	sbarrier.arrive $0xFFFF  }
0xe2: {  	_ =	strace $0x90000047  }
0xe3: {  	s0 =	stileid.u32;
	[bflag:$0x2] =	sbarrier.arrive $0xFFFF  }
0xe4: {  	p0 =	sne.s32 s0, $0x0;
	s0 =	rddreg [dreg:$0x3]  }
0xe5: {  	s0 =	sadd.s32 @!p0 $0x100000, s0  }
0xe6: {  	[sflag:s0] =	ssyncadd.tile.s32 @!p0 $0x1;
	_ =	shalt  }
.Lfunc_end2:
_tile_overlayer_lowered:
.L_overlay_start_2:
0xe7: {  	(tag) =	ssettag $0x2  }
0xe8: {  	s0 =	rddreg [dreg:$0x0];
	s2 =	stileid.u32  }
0xe9: {  	s1 =	rddreg [dreg:$0x1];
	p0 =	sne.s32 s2, $0x0  }
0xea: {  	s3 =	rddreg [dreg:$0x2];
	[bflag:$0x3] =	sbarrier.arrive $0xFFFF;
	s2 =	simm.s32 @!p0 $0x1C06  }
0xeb: {  	[timem:s3], [sflag:s2] =	dma.local @!p0 [hbm:s0], s1  }
0xec: {  	s0 =	simm.s32 @!p0 $0x6  }
0xed: {  	_ =	swait.ge @!p0 [sflag:s0], s1  }
0xee: {  	s1 =	ssub.s32 @!p0 $0x0, s1;
	[sflag:s0] =	ssyncset.done @!p0 $0x0  }
0xef: {  	[sflag:s0] =	ssyncadd.s32 @!p0 s1  }
0xf0: {  	[bflag:$0x3] =	sbarrier.arrive $0xFFFF  }
0xf1: {  	_ =	shalt  }

</sc_bundles>
